<compile_context>
chip_gen: v7x
topology: tpu7x:2x2x1
jax: 0.10.2.dev20260603
libtpu: 0.0.44.dev20260713+nightly
codegen_flags: <defaults>
</compile_context>

<pallas_src>
import functools

import numpy as np
import jax
import jax.numpy as jnp
from jax import lax
from jax.experimental import pallas as pl
from jax.experimental.pallas import tpu as pltpu
from jax.experimental.pallas import tpu_sc as plsc

_B = 16384
_D = 32
_NC = 2
_NS = 16
_NW = _NC * _NS
_BPW = _B // _NW
_CHUNK = 128
_NCHUNK = _BPW // _CHUNK
_L = 16
_NAGE = 11
_NCOMB = 3 * _NAGE

_BOUNDS = tuple(float(x) for x in np.linspace(0.0, 100.0, num=10))

_mesh = plsc.VectorSubcoreMesh(core_axis_name="c", subcore_axis_name="s")


@functools.partial(
    pl.kernel,
    out_type=jax.ShapeDtypeStruct((_B, 128), jnp.float32),
    mesh=_mesh,
    compiler_params=pltpu.CompilerParams(use_tc_tiling_on_sc=False),
    scratch_types=[
        pltpu.VMEM((_BPW,), jnp.int32),
        pltpu.VMEM((_BPW,), jnp.int32),
        pltpu.VMEM((_BPW,), jnp.float32),
        pltpu.VMEM((_NCHUNK, _CHUNK), jnp.int32),
        pltpu.VMEM((_BPW, _D), jnp.float32),
        pltpu.VMEM((_BPW, 2 * _D), jnp.float32),
        pltpu.VMEM_SHARED((_NCOMB, 2 * _D), jnp.float32),
        pltpu.SemaphoreType.DMA,
        pltpu.SemaphoreType.DMA,
        pltpu.SemaphoreType.DMA,
    ],
)
def _sc_lookup(uid_hbm, gid_hbm, age_hbm, ut_hbm, ct_hbm, out_hbm,
               uid_v, gid_v, age_v, cidx_v, urows_v, crows_v, ct_sh,
               sem, csem, osem):
    sid = lax.axis_index("s")
    wid = sid * _NC + lax.axis_index("c")
    base = wid * _BPW

    @pl.when(sid == 0)
    def _():
        pltpu.sync_copy(ct_hbm, ct_sh)

    stage_u = pltpu.async_copy(uid_hbm.at[pl.ds(base, _BPW)], uid_v, sem)
    stage_g = pltpu.async_copy(gid_hbm.at[pl.ds(base, _BPW)], gid_v, sem)
    stage_a = pltpu.async_copy(age_hbm.at[pl.ds(base, _BPW)], age_v, sem)
    stage_u.wait()

    gathers = []
    for c in range(_NCHUNK):
        gathers.append(pltpu.async_copy(
            ut_hbm.at[uid_v.at[pl.ds(c * _CHUNK, _CHUNK)]],
            urows_v.at[pl.ds(c * _CHUNK, _CHUNK)], sem))
    stage_g.wait()
    stage_a.wait()

    eleven = jnp.full((_L,), _NAGE, jnp.int32)
    one = jnp.ones((_L,), jnp.int32)
    zero = jnp.zeros((_L,), jnp.int32)
    for c in range(_NCHUNK):
        def bkt(i, carry, c=c):
            a = age_v[pl.ds(c * _CHUNK + i * _L, _L)]
            g = gid_v[pl.ds(c * _CHUNK + i * _L, _L)]
            b = g * eleven
            for t in _BOUNDS:
                tv = jnp.full((_L,), t, jnp.float32)
                b = b + jnp.where(a >= tv, one, zero)
            cidx_v[c, pl.ds(i * _L, _L)] = b
            return carry
        lax.fori_loop(0, _CHUNK // _L, bkt, 0)

    plsc.subcore_barrier()

    comb_gathers = []
    for c in range(_NCHUNK):
        comb_gathers.append(pltpu.async_copy(
            ct_sh.at[cidx_v.at[c]], crows_v.at[pl.ds(c * _CHUNK, _CHUNK)], csem))

    for h in gathers:
        h.wait()
    wr_u = pltpu.async_copy(urows_v, out_hbm.at[pl.ds(base, _BPW), pl.ds(0, _D)], osem)
    for h in comb_gathers:
        h.wait()
    wr_c = pltpu.async_copy(crows_v, out_hbm.at[pl.ds(base, _BPW), pl.ds(_D, 2 * _D)], osem)
    wr_u.wait()
    wr_c.wait()


_RB = 2048


def _tc_transpose_body(x_ref, o_ref):
    x = x_ref[...]
    lane = lax.broadcasted_iota(jnp.int32, (_RB, 128), 1)
    x = jnp.where(lane < 96, x, 0.0)
    ek = lax.broadcasted_iota(jnp.int32, (128, 96), 0)
    ec = lax.broadcasted_iota(jnp.int32, (128, 96), 1)
    eye = (ek == ec).astype(jnp.float32)
    o_ref[...] = lax.dot_general(
        eye, x, (((0,), (1,)), ((), ())),
        preferred_element_type=jnp.float32,
        precision=lax.Precision.HIGHEST,
    )


_tc_transpose = pl.pallas_call(
    _tc_transpose_body,
    out_shape=jax.ShapeDtypeStruct((96, _B), jnp.float32),
    grid=(_B // _RB,),
    in_specs=[pl.BlockSpec((_RB, 128), lambda i: (i, 0))],
    out_specs=pl.BlockSpec((96, _RB), lambda i: (0, i)),
)


@jax.jit
def kernel(user_id, gender, age, user_table, gender_table, age_table):
    comb = jnp.concatenate(
        [jnp.repeat(gender_table, _NAGE, axis=0), jnp.tile(age_table, (3, 1))],
        axis=1,
    )
    staged = _sc_lookup(user_id, gender, age, user_table, comb)
    out_t = _tc_transpose(staged)
    return out_t.T

# --- scband reference (transcript-rebuilt; emitter-appended) ---
"""Pipeline reference for scband-user-model-23871428232096 (READ-ONLY COPY).

The authoritative reference and input builder live on the scoring server;
editing this copy changes nothing except your own understanding.
"""

import jax, jax.numpy as jnp
import numpy as np

B = 16384
N_USERS = 100001  # len(user_id_vocab)=100000 + 1 OOV
N_GENDERS = 3     # len(gender_vocab)=2 + 1 OOV
N_AGE = 11        # 10 boundaries -> 11 buckets
D = 32


def setup_inputs(seed: int = 0) -> dict:
    key = jax.random.key(seed)
    k1, k2, k3, k4, k5, k6 = jax.random.split(key, 6)
    user_id = jax.random.randint(k1, (B,), 0, N_USERS, dtype=jnp.int64 if jax.config.jax_enable_x64 else jnp.int32).astype(jnp.int32)
    gender = jax.random.randint(k2, (B,), 0, N_GENDERS).astype(jnp.int32)
    age = jax.random.uniform(k3, (B,), minval=0.0, maxval=100.0, dtype=jnp.float32)
    user_table = jax.random.normal(k4, (N_USERS, D), dtype=jnp.float32) * 0.05
    gender_table = jax.random.normal(k5, (N_GENDERS, D), dtype=jnp.float32) * 0.05
    age_table = jax.random.normal(k6, (N_AGE, D), dtype=jnp.float32) * 0.05
    return {"user_id": user_id, "gender": gender, "age": age,
            "user_table": user_table, "gender_table": gender_table, "age_table": age_table}


def reference(user_id, gender, age, user_table, gender_table, age_table):
    # StringLookup has already been folded into integer ids (user_id, gender).
    # user embedding
    t1 = jnp.take(user_table, user_id, axis=0).reshape(-1, D)
    # gender embedding
    t2 = jnp.take(gender_table, gender, axis=0).reshape(-1, D)
    # age discretization (tf bucketize: boundaries[i-1] <= v < boundaries[i]) + embedding
    boundaries = jnp.asarray(np.linspace(0, 100, num=10), dtype=jnp.float32)
    age_bucket = jnp.searchsorted(boundaries, age, side='right')
    t3 = jnp.take(age_table, age_bucket, axis=0).reshape(-1, D)
    return jnp.concatenate([t1, t2, t3], axis=1)

if __name__ == "__main__":
    import jax
    _d = setup_inputs()
    print(jax.jit(kernel)(*tuple(_d.values())))

</pallas_src>

<mosaic_0001>
#map = affine_map<(d0, d1) -> (0)>
#map1 = affine_map<(d0, d1) -> (0, 0)>
module attributes {stable_mosaic.version = 14 : i64} {
  func.func @_sc_lookup(%arg0: i32, %arg1: i32, %arg2: memref<16384xi32, #tpu.memory_space<hbm>>, %arg3: memref<16384xi32, #tpu.memory_space<hbm>>, %arg4: memref<16384xf32, #tpu.memory_space<hbm>>, %arg5: memref<100001x32xf32, #tpu.memory_space<hbm>>, %arg6: memref<33x64xf32, #tpu.memory_space<hbm>>, %arg7: memref<16384x128xf32, #tpu.memory_space<hbm>>, %arg8: memref<512xi32, #tpu.memory_space<vmem>>, %arg9: memref<512xi32, #tpu.memory_space<vmem>>, %arg10: memref<512xf32, #tpu.memory_space<vmem>>, %arg11: memref<4x128xi32, #tpu.memory_space<vmem>>, %arg12: memref<512x32xf32, #tpu.memory_space<vmem>>, %arg13: memref<512x64xf32, #tpu.memory_space<vmem>>, %arg14: memref<33x64xf32, #tpu.memory_space<vmem_shared>>, %arg15: memref<!tpu.dma_semaphore, #tpu.memory_space<semaphore_mem>>, %arg16: memref<!tpu.dma_semaphore, #tpu.memory_space<semaphore_mem>>, %arg17: memref<!tpu.dma_semaphore, #tpu.memory_space<semaphore_mem>>) attributes {dimension_semantics = [#tpu.dimension_semantics<core_parallel>, #tpu.dimension_semantics<subcore_parallel>], iteration_bounds = array<i64: 2, 16>, scalar_prefetch = 0 : i64, scratch_operands = 10 : i64, tpu.core_type = #tpu.core_type<sc_vector_subcore>, window_params = [{transform_indices = #map}, {transform_indices = #map}, {transform_indices = #map}, {transform_indices = #map1}, {transform_indices = #map1}, {transform_indices = #map1}]} {
    %mul3A = arith.constant 2 : i32
    %mul3A_0 = arith.muli %arg1, %mul3A : i32
    %add3A = arith.addi %mul3A_0, %arg0 : i32
    %mul3A_1 = arith.constant 512 : i32
    %mul3A_2 = arith.muli %add3A, %mul3A_1 : i32
    %eq3A = arith.constant 0 : i32
    %eq3A_3 = arith.cmpi eq, %arg1, %eq3A : i32
    %convert_element_type3A = arith.extui %eq3A_3 : i1 to i32
    %cond3A = arith.constant 0 : i32
    %cond3A_4 = arith.cmpi ne, %convert_element_type3A, %cond3A : i32
    scf.if %cond3A_4 {
      "tpu.region"() ({
        %run_scoped3A = tpu.sem_alloc : memref<!tpu.dma_semaphore, #tpu.memory_space<semaphore_mem>>
        tpu.enqueue_dma source(%arg6 : memref<33x64xf32, #tpu.memory_space<hbm>>) target(%arg14 : memref<33x64xf32, #tpu.memory_space<vmem_shared>>) target_semaphore(%run_scoped3A : memref<!tpu.dma_semaphore, #tpu.memory_space<semaphore_mem>>)
        tpu.wait_dma2 semaphore(%run_scoped3A : memref<!tpu.dma_semaphore, #tpu.memory_space<semaphore_mem>>) src(%arg6 : memref<33x64xf32, #tpu.memory_space<hbm>>) dst(%arg14 : memref<33x64xf32, #tpu.memory_space<vmem_shared>>)
        tpu.yield
      }) : () -> ()
    } else {
    }
    %dma_start3A = tpu.memref_slice %arg2[%mul3A_2] : memref<16384xi32, #tpu.memory_space<hbm>> -> memref<512xi32, #tpu.memory_space<hbm>>
    %dma_start3A_5 = tpu.memref_slice %arg2[%mul3A_2] : memref<16384xi32, #tpu.memory_space<hbm>> -> memref<512xi32, #tpu.memory_space<hbm>>
    tpu.enqueue_dma source(%dma_start3A_5 : memref<512xi32, #tpu.memory_space<hbm>>) target(%arg8 : memref<512xi32, #tpu.memory_space<vmem>>) target_semaphore(%arg15 : memref<!tpu.dma_semaphore, #tpu.memory_space<semaphore_mem>>)
    %dma_start3A_6 = tpu.memref_slice %arg3[%mul3A_2] : memref<16384xi32, #tpu.memory_space<hbm>> -> memref<512xi32, #tpu.memory_space<hbm>>
    %dma_start3A_7 = tpu.memref_slice %arg3[%mul3A_2] : memref<16384xi32, #tpu.memory_space<hbm>> -> memref<512xi32, #tpu.memory_space<hbm>>
    tpu.enqueue_dma source(%dma_start3A_7 : memref<512xi32, #tpu.memory_space<hbm>>) target(%arg9 : memref<512xi32, #tpu.memory_space<vmem>>) target_semaphore(%arg15 : memref<!tpu.dma_semaphore, #tpu.memory_space<semaphore_mem>>)
    %dma_start3A_8 = tpu.memref_slice %arg4[%mul3A_2] : memref<16384xf32, #tpu.memory_space<hbm>> -> memref<512xf32, #tpu.memory_space<hbm>>
    %dma_start3A_9 = tpu.memref_slice %arg4[%mul3A_2] : memref<16384xf32, #tpu.memory_space<hbm>> -> memref<512xf32, #tpu.memory_space<hbm>>
    tpu.enqueue_dma source(%dma_start3A_9 : memref<512xf32, #tpu.memory_space<hbm>>) target(%arg10 : memref<512xf32, #tpu.memory_space<vmem>>) target_semaphore(%arg15 : memref<!tpu.dma_semaphore, #tpu.memory_space<semaphore_mem>>)
    %dma_wait3A = tpu.memref_slice %arg2[%mul3A_2] : memref<16384xi32, #tpu.memory_space<hbm>> -> memref<512xi32, #tpu.memory_space<hbm>>
    %dma_wait3A_10 = tpu.memref_slice %arg2[%mul3A_2] : memref<16384xi32, #tpu.memory_space<hbm>> -> memref<512xi32, #tpu.memory_space<hbm>>
    tpu.wait_dma2 semaphore(%arg15 : memref<!tpu.dma_semaphore, #tpu.memory_space<semaphore_mem>>) src(%dma_wait3A_10 : memref<512xi32, #tpu.memory_space<hbm>>) dst(%arg8 : memref<512xi32, #tpu.memory_space<vmem>>)
    %dma_start3A_11 = arith.constant 0 : i32
    %dma_start3A_12 = arith.constant 0 : i32
    %dma_start3A_13 = tpu.memref_slice %arg12[%dma_start3A_11, %dma_start3A_12] : memref<512x32xf32, #tpu.memory_space<vmem>> -> memref<128x32xf32, #tpu.memory_space<vmem>>
    %dma_start3A_14 = arith.constant 0 : i32
    %dma_start3A_15 = tpu.memref_slice %arg8[%dma_start3A_14] : memref<512xi32, #tpu.memory_space<vmem>> -> memref<128xi32, #tpu.memory_space<vmem>>
    %dma_start3A_16 = arith.constant 0 : i32
    %dma_start3A_17 = arith.constant 0 : i32
    %dma_start3A_18 = tpu.memref_slice %arg5[%dma_start3A_16, %dma_start3A_17] : memref<100001x32xf32, #tpu.memory_space<hbm>> -> memref<100001x32xf32, #tpu.memory_space<hbm>>
    tpu.enqueue_indirect_dma source(%dma_start3A_18 : memref<100001x32xf32, #tpu.memory_space<hbm>>) target(%dma_start3A_13 : memref<128x32xf32, #tpu.memory_space<vmem>>) offsets(%dma_start3A_15 : memref<128xi32, #tpu.memory_space<vmem>>) semaphore(%arg15 : memref<!tpu.dma_semaphore, #tpu.memory_space<semaphore_mem>>)
    %dma_start3A_19 = arith.constant 128 : i32
    %dma_start3A_20 = arith.constant 0 : i32
    %dma_start3A_21 = tpu.memref_slice %arg12[%dma_start3A_19, %dma_start3A_20] : memref<512x32xf32, #tpu.memory_space<vmem>> -> memref<128x32xf32, #tpu.memory_space<vmem>>
    %dma_start3A_22 = arith.constant 128 : i32
    %dma_start3A_23 = tpu.memref_slice %arg8[%dma_start3A_22] : memref<512xi32, #tpu.memory_space<vmem>> -> memref<128xi32, #tpu.memory_space<vmem>>
    %dma_start3A_24 = arith.constant 0 : i32
    %dma_start3A_25 = arith.constant 0 : i32
    %dma_start3A_26 = tpu.memref_slice %arg5[%dma_start3A_24, %dma_start3A_25] : memref<100001x32xf32, #tpu.memory_space<hbm>> -> memref<100001x32xf32, #tpu.memory_space<hbm>>
    tpu.enqueue_indirect_dma source(%dma_start3A_26 : memref<100001x32xf32, #tpu.memory_space<hbm>>) target(%dma_start3A_21 : memref<128x32xf32, #tpu.memory_space<vmem>>) offsets(%dma_start3A_23 : memref<128xi32, #tpu.memory_space<vmem>>) semaphore(%arg15 : memref<!tpu.dma_semaphore, #tpu.memory_space<semaphore_mem>>)
    %dma_start3A_27 = arith.constant 256 : i32
    %dma_start3A_28 = arith.constant 0 : i32
    %dma_start3A_29 = tpu.memref_slice %arg12[%dma_start3A_27, %dma_start3A_28] : memref<512x32xf32, #tpu.memory_space<vmem>> -> memref<128x32xf32, #tpu.memory_space<vmem>>
    %dma_start3A_30 = arith.constant 256 : i32
    %dma_start3A_31 = tpu.memref_slice %arg8[%dma_start3A_30] : memref<512xi32, #tpu.memory_space<vmem>> -> memref<128xi32, #tpu.memory_space<vmem>>
    %dma_start3A_32 = arith.constant 0 : i32
    %dma_start3A_33 = arith.constant 0 : i32
    %dma_start3A_34 = tpu.memref_slice %arg5[%dma_start3A_32, %dma_start3A_33] : memref<100001x32xf32, #tpu.memory_space<hbm>> -> memref<100001x32xf32, #tpu.memory_space<hbm>>
    tpu.enqueue_indirect_dma source(%dma_start3A_34 : memref<100001x32xf32, #tpu.memory_space<hbm>>) target(%dma_start3A_29 : memref<128x32xf32, #tpu.memory_space<vmem>>) offsets(%dma_start3A_31 : memref<128xi32, #tpu.memory_space<vmem>>) semaphore(%arg15 : memref<!tpu.dma_semaphore, #tpu.memory_space<semaphore_mem>>)
    %dma_start3A_35 = arith.constant 384 : i32
    %dma_start3A_36 = arith.constant 0 : i32
    %dma_start3A_37 = tpu.memref_slice %arg12[%dma_start3A_35, %dma_start3A_36] : memref<512x32xf32, #tpu.memory_space<vmem>> -> memref<128x32xf32, #tpu.memory_space<vmem>>
    %dma_start3A_38 = arith.constant 384 : i32
    %dma_start3A_39 = tpu.memref_slice %arg8[%dma_start3A_38] : memref<512xi32, #tpu.memory_space<vmem>> -> memref<128xi32, #tpu.memory_space<vmem>>
    %dma_start3A_40 = arith.constant 0 : i32
    %dma_start3A_41 = arith.constant 0 : i32
    %dma_start3A_42 = tpu.memref_slice %arg5[%dma_start3A_40, %dma_start3A_41] : memref<100001x32xf32, #tpu.memory_space<hbm>> -> memref<100001x32xf32, #tpu.memory_space<hbm>>
    tpu.enqueue_indirect_dma source(%dma_start3A_42 : memref<100001x32xf32, #tpu.memory_space<hbm>>) target(%dma_start3A_37 : memref<128x32xf32, #tpu.memory_space<vmem>>) offsets(%dma_start3A_39 : memref<128xi32, #tpu.memory_space<vmem>>) semaphore(%arg15 : memref<!tpu.dma_semaphore, #tpu.memory_space<semaphore_mem>>)
    %dma_wait3A_43 = tpu.memref_slice %arg3[%mul3A_2] : memref<16384xi32, #tpu.memory_space<hbm>> -> memref<512xi32, #tpu.memory_space<hbm>>
    %dma_wait3A_44 = tpu.memref_slice %arg3[%mul3A_2] : memref<16384xi32, #tpu.memory_space<hbm>> -> memref<512xi32, #tpu.memory_space<hbm>>
    tpu.wait_dma2 semaphore(%arg15 : memref<!tpu.dma_semaphore, #tpu.memory_space<semaphore_mem>>) src(%dma_wait3A_44 : memref<512xi32, #tpu.memory_space<hbm>>) dst(%arg9 : memref<512xi32, #tpu.memory_space<vmem>>)
    %dma_wait3A_45 = tpu.memref_slice %arg4[%mul3A_2] : memref<16384xf32, #tpu.memory_space<hbm>> -> memref<512xf32, #tpu.memory_space<hbm>>
    %dma_wait3A_46 = tpu.memref_slice %arg4[%mul3A_2] : memref<16384xf32, #tpu.memory_space<hbm>> -> memref<512xf32, #tpu.memory_space<hbm>>
    tpu.wait_dma2 semaphore(%arg15 : memref<!tpu.dma_semaphore, #tpu.memory_space<semaphore_mem>>) src(%dma_wait3A_46 : memref<512xf32, #tpu.memory_space<hbm>>) dst(%arg10 : memref<512xf32, #tpu.memory_space<vmem>>)
    %broadcast_in_dim3A = arith.constant 11 : i32
    %broadcast_in_dim3A_47 = vector.broadcast %broadcast_in_dim3A : i32 to vector<16xi32>
    %broadcast_in_dim3A_48 = arith.constant 1 : i32
    %broadcast_in_dim3A_49 = vector.broadcast %broadcast_in_dim3A_48 : i32 to vector<16xi32>
    %broadcast_in_dim3A_50 = arith.constant 0 : i32
    %broadcast_in_dim3A_51 = vector.broadcast %broadcast_in_dim3A_50 : i32 to vector<16xi32>
    %scan3A = arith.constant 0 : i32
    %scan3A_52 = arith.constant 0 : i32
    %scan3A_53 = arith.constant 8 : i32
    %scan3A_54 = arith.addi %scan3A_52, %scan3A_53 : i32
    %scan3A_55 = arith.constant 1 : i32
    scf.for %scan3A_203 = %scan3A_52 to %scan3A_54 step %scan3A_55  : i32 {
      %mul3A_204 = arith.constant 16 : i32
      %mul3A_205 = arith.muli %scan3A_203, %mul3A_204 : i32
      %add3A_206 = arith.constant 0 : i32
      %add3A_207 = arith.addi %add3A_206, %mul3A_205 : i32
      %get3A = arith.index_cast %add3A_207 : i32 to index
      %get3A_208 = tpu.vector_load %arg10[%get3A] {strides = array<i32>} : memref<512xf32, #tpu.memory_space<vmem>>, vector<16xf32>,
      %get3A_209 = vector.shape_cast %get3A_208 : vector<16xf32> to vector<16xf32>
      %mul3A_210 = arith.constant 16 : i32
      %mul3A_211 = arith.muli %scan3A_203, %mul3A_210 : i32
      %add3A_212 = arith.constant 0 : i32
      %add3A_213 = arith.addi %add3A_212, %mul3A_211 : i32
      %get3A_214 = arith.index_cast %add3A_213 : i32 to index
      %get3A_215 = tpu.vector_load %arg9[%get3A_214] {strides = array<i32>} : memref<512xi32, #tpu.memory_space<vmem>>, vector<16xi32>,
      %get3A_216 = vector.shape_cast %get3A_215 : vector<16xi32> to vector<16xi32>
      %mul3A_217 = arith.muli %get3A_216, %broadcast_in_dim3A_47 : vector<16xi32>
      %broadcast_in_dim3A_218 = arith.constant 0.000000e+00 : f32
      %broadcast_in_dim3A_219 = vector.broadcast %broadcast_in_dim3A_218 : f32 to vector<16xf32>
      %ge3A = arith.cmpf oge, %get3A_209, %broadcast_in_dim3A_219 : vector<16xf32>
      %select_n3A = arith.select %ge3A, %broadcast_in_dim3A_49, %broadcast_in_dim3A_51 : vector<16xi1>, vector<16xi32>
      %add3A_220 = arith.addi %mul3A_217, %select_n3A : vector<16xi32>
      %broadcast_in_dim3A_221 = arith.constant 11.1111107 : f32
      %broadcast_in_dim3A_222 = vector.broadcast %broadcast_in_dim3A_221 : f32 to vector<16xf32>
      %ge3A_223 = arith.cmpf oge, %get3A_209, %broadcast_in_dim3A_222 : vector<16xf32>
      %select_n3A_224 = arith.select %ge3A_223, %broadcast_in_dim3A_49, %broadcast_in_dim3A_51 : vector<16xi1>, vector<16xi32>
      %add3A_225 = arith.addi %add3A_220, %select_n3A_224 : vector<16xi32>
      %broadcast_in_dim3A_226 = arith.constant 22.2222214 : f32
      %broadcast_in_dim3A_227 = vector.broadcast %broadcast_in_dim3A_226 : f32 to vector<16xf32>
      %ge3A_228 = arith.cmpf oge, %get3A_209, %broadcast_in_dim3A_227 : vector<16xf32>
      %select_n3A_229 = arith.select %ge3A_228, %broadcast_in_dim3A_49, %broadcast_in_dim3A_51 : vector<16xi1>, vector<16xi32>
      %add3A_230 = arith.addi %add3A_225, %select_n3A_229 : vector<16xi32>
      %broadcast_in_dim3A_231 = arith.constant 33.3333321 : f32
      %broadcast_in_dim3A_232 = vector.broadcast %broadcast_in_dim3A_231 : f32 to vector<16xf32>
      %ge3A_233 = arith.cmpf oge, %get3A_209, %broadcast_in_dim3A_232 : vector<16xf32>
      %select_n3A_234 = arith.select %ge3A_233, %broadcast_in_dim3A_49, %broadcast_in_dim3A_51 : vector<16xi1>, vector<16xi32>
      %add3A_235 = arith.addi %add3A_230, %select_n3A_234 : vector<16xi32>
      %broadcast_in_dim3A_236 = arith.constant 44.4444427 : f32
      %broadcast_in_dim3A_237 = vector.broadcast %broadcast_in_dim3A_236 : f32 to vector<16xf32>
      %ge3A_238 = arith.cmpf oge, %get3A_209, %broadcast_in_dim3A_237 : vector<16xf32>
      %select_n3A_239 = arith.select %ge3A_238, %broadcast_in_dim3A_49, %broadcast_in_dim3A_51 : vector<16xi1>, vector<16xi32>
      %add3A_240 = arith.addi %add3A_235, %select_n3A_239 : vector<16xi32>
      %broadcast_in_dim3A_241 = arith.constant 55.5555573 : f32
      %broadcast_in_dim3A_242 = vector.broadcast %broadcast_in_dim3A_241 : f32 to vector<16xf32>
      %ge3A_243 = arith.cmpf oge, %get3A_209, %broadcast_in_dim3A_242 : vector<16xf32>
      %select_n3A_244 = arith.select %ge3A_243, %broadcast_in_dim3A_49, %broadcast_in_dim3A_51 : vector<16xi1>, vector<16xi32>
      %add3A_245 = arith.addi %add3A_240, %select_n3A_244 : vector<16xi32>
      %broadcast_in_dim3A_246 = arith.constant 66.6666641 : f32
      %broadcast_in_dim3A_247 = vector.broadcast %broadcast_in_dim3A_246 : f32 to vector<16xf32>
      %ge3A_248 = arith.cmpf oge, %get3A_209, %broadcast_in_dim3A_247 : vector<16xf32>
      %select_n3A_249 = arith.select %ge3A_248, %broadcast_in_dim3A_49, %broadcast_in_dim3A_51 : vector<16xi1>, vector<16xi32>
      %add3A_250 = arith.addi %add3A_245, %select_n3A_249 : vector<16xi32>
      %broadcast_in_dim3A_251 = arith.constant 77.7777786 : f32
      %broadcast_in_dim3A_252 = vector.broadcast %broadcast_in_dim3A_251 : f32 to vector<16xf32>
      %ge3A_253 = arith.cmpf oge, %get3A_209, %broadcast_in_dim3A_252 : vector<16xf32>
      %select_n3A_254 = arith.select %ge3A_253, %broadcast_in_dim3A_49, %broadcast_in_dim3A_51 : vector<16xi1>, vector<16xi32>
      %add3A_255 = arith.addi %add3A_250, %select_n3A_254 : vector<16xi32>
      %broadcast_in_dim3A_256 = arith.constant 88.8888854 : f32
      %broadcast_in_dim3A_257 = vector.broadcast %broadcast_in_dim3A_256 : f32 to vector<16xf32>
      %ge3A_258 = arith.cmpf oge, %get3A_209, %broadcast_in_dim3A_257 : vector<16xf32>
      %select_n3A_259 = arith.select %ge3A_258, %broadcast_in_dim3A_49, %broadcast_in_dim3A_51 : vector<16xi1>, vector<16xi32>
      %add3A_260 = arith.addi %add3A_255, %select_n3A_259 : vector<16xi32>
      %broadcast_in_dim3A_261 = arith.constant 1.000000e+02 : f32
      %broadcast_in_dim3A_262 = vector.broadcast %broadcast_in_dim3A_261 : f32 to vector<16xf32>
      %ge3A_263 = arith.cmpf oge, %get3A_209, %broadcast_in_dim3A_262 : vector<16xf32>
      %select_n3A_264 = arith.select %ge3A_263, %broadcast_in_dim3A_49, %broadcast_in_dim3A_51 : vector<16xi1>, vector<16xi32>
      %add3A_265 = arith.addi %add3A_260, %select_n3A_264 : vector<16xi32>
      %mul3A_266 = arith.constant 16 : i32
      %mul3A_267 = arith.muli %scan3A_203, %mul3A_266 : i32
      %swap3A = arith.constant 0 : i32
      %swap3A_268 = arith.index_cast %swap3A : i32 to index
      %swap3A_269 = arith.index_cast %mul3A_267 : i32 to index
      %swap3A_270 = tpu.vector_load %arg11[%swap3A_268, %swap3A_269] {strides = array<i32>} : memref<4x128xi32, #tpu.memory_space<vmem>>, vector<1x16xi32>,
      %swap3A_271 = vector.shape_cast %swap3A_270 : vector<1x16xi32> to vector<16xi32>
      %swap3A_272 = vector.shape_cast %add3A_265 : vector<16xi32> to vector<1x16xi32>
      tpu.vector_store %arg11[%swap3A_268, %swap3A_269], %swap3A_272 {strides = array<i32>} : memref<4x128xi32, #tpu.memory_space<vmem>>, vector<1x16xi32>,
    }
    %scan3A_56 = arith.constant 8 : i32
    %scan3A_57 = arith.constant 0 : i32
    %scan3A_58 = arith.constant 0 : i32
    %scan3A_59 = arith.constant 8 : i32
    %scan3A_60 = arith.addi %scan3A_58, %scan3A_59 : i32
    %scan3A_61 = arith.constant 1 : i32
    scf.for %scan3A_203 = %scan3A_58 to %scan3A_60 step %scan3A_61  : i32 {
      %mul3A_204 = arith.constant 16 : i32
      %mul3A_205 = arith.muli %scan3A_203, %mul3A_204 : i32
      %add3A_206 = arith.constant 128 : i32
      %add3A_207 = arith.addi %add3A_206, %mul3A_205 : i32
      %get3A = arith.index_cast %add3A_207 : i32 to index
      %get3A_208 = tpu.vector_load %arg10[%get3A] {strides = array<i32>} : memref<512xf32, #tpu.memory_space<vmem>>, vector<16xf32>,
      %get3A_209 = vector.shape_cast %get3A_208 : vector<16xf32> to vector<16xf32>
      %mul3A_210 = arith.constant 16 : i32
      %mul3A_211 = arith.muli %scan3A_203, %mul3A_210 : i32
      %add3A_212 = arith.constant 128 : i32
      %add3A_213 = arith.addi %add3A_212, %mul3A_211 : i32
      %get3A_214 = arith.index_cast %add3A_213 : i32 to index
      %get3A_215 = tpu.vector_load %arg9[%get3A_214] {strides = array<i32>} : memref<512xi32, #tpu.memory_space<vmem>>, vector<16xi32>,
      %get3A_216 = vector.shape_cast %get3A_215 : vector<16xi32> to vector<16xi32>
      %mul3A_217 = arith.muli %get3A_216, %broadcast_in_dim3A_47 : vector<16xi32>
      %broadcast_in_dim3A_218 = arith.constant 0.000000e+00 : f32
      %broadcast_in_dim3A_219 = vector.broadcast %broadcast_in_dim3A_218 : f32 to vector<16xf32>
      %ge3A = arith.cmpf oge, %get3A_209, %broadcast_in_dim3A_219 : vector<16xf32>
      %select_n3A = arith.select %ge3A, %broadcast_in_dim3A_49, %broadcast_in_dim3A_51 : vector<16xi1>, vector<16xi32>
      %add3A_220 = arith.addi %mul3A_217, %select_n3A : vector<16xi32>
      %broadcast_in_dim3A_221 = arith.constant 11.1111107 : f32
      %broadcast_in_dim3A_222 = vector.broadcast %broadcast_in_dim3A_221 : f32 to vector<16xf32>
      %ge3A_223 = arith.cmpf oge, %get3A_209, %broadcast_in_dim3A_222 : vector<16xf32>
      %select_n3A_224 = arith.select %ge3A_223, %broadcast_in_dim3A_49, %broadcast_in_dim3A_51 : vector<16xi1>, vector<16xi32>
      %add3A_225 = arith.addi %add3A_220, %select_n3A_224 : vector<16xi32>
      %broadcast_in_dim3A_226 = arith.constant 22.2222214 : f32
      %broadcast_in_dim3A_227 = vector.broadcast %broadcast_in_dim3A_226 : f32 to vector<16xf32>
      %ge3A_228 = arith.cmpf oge, %get3A_209, %broadcast_in_dim3A_227 : vector<16xf32>
      %select_n3A_229 = arith.select %ge3A_228, %broadcast_in_dim3A_49, %broadcast_in_dim3A_51 : vector<16xi1>, vector<16xi32>
      %add3A_230 = arith.addi %add3A_225, %select_n3A_229 : vector<16xi32>
      %broadcast_in_dim3A_231 = arith.constant 33.3333321 : f32
      %broadcast_in_dim3A_232 = vector.broadcast %broadcast_in_dim3A_231 : f32 to vector<16xf32>
      %ge3A_233 = arith.cmpf oge, %get3A_209, %broadcast_in_dim3A_232 : vector<16xf32>
      %select_n3A_234 = arith.select %ge3A_233, %broadcast_in_dim3A_49, %broadcast_in_dim3A_51 : vector<16xi1>, vector<16xi32>
      %add3A_235 = arith.addi %add3A_230, %select_n3A_234 : vector<16xi32>
      %broadcast_in_dim3A_236 = arith.constant 44.4444427 : f32
      %broadcast_in_dim3A_237 = vector.broadcast %broadcast_in_dim3A_236 : f32 to vector<16xf32>
      %ge3A_238 = arith.cmpf oge, %get3A_209, %broadcast_in_dim3A_237 : vector<16xf32>
      %select_n3A_239 = arith.select %ge3A_238, %broadcast_in_dim3A_49, %broadcast_in_dim3A_51 : vector<16xi1>, vector<16xi32>
      %add3A_240 = arith.addi %add3A_235, %select_n3A_239 : vector<16xi32>
      %broadcast_in_dim3A_241 = arith.constant 55.5555573 : f32
      %broadcast_in_dim3A_242 = vector.broadcast %broadcast_in_dim3A_241 : f32 to vector<16xf32>
      %ge3A_243 = arith.cmpf oge, %get3A_209, %broadcast_in_dim3A_242 : vector<16xf32>
      %select_n3A_244 = arith.select %ge3A_243, %broadcast_in_dim3A_49, %broadcast_in_dim3A_51 : vector<16xi1>, vector<16xi32>
      %add3A_245 = arith.addi %add3A_240, %select_n3A_244 : vector<16xi32>
      %broadcast_in_dim3A_246 = arith.constant 66.6666641 : f32
      %broadcast_in_dim3A_247 = vector.broadcast %broadcast_in_dim3A_246 : f32 to vector<16xf32>
      %ge3A_248 = arith.cmpf oge, %get3A_209, %broadcast_in_dim3A_247 : vector<16xf32>
      %select_n3A_249 = arith.select %ge3A_248, %broadcast_in_dim3A_49, %broadcast_in_dim3A_51 : vector<16xi1>, vector<16xi32>
      %add3A_250 = arith.addi %add3A_245, %select_n3A_249 : vector<16xi32>
      %broadcast_in_dim3A_251 = arith.constant 77.7777786 : f32
      %broadcast_in_dim3A_252 = vector.broadcast %broadcast_in_dim3A_251 : f32 to vector<16xf32>
      %ge3A_253 = arith.cmpf oge, %get3A_209, %broadcast_in_dim3A_252 : vector<16xf32>
      %select_n3A_254 = arith.select %ge3A_253, %broadcast_in_dim3A_49, %broadcast_in_dim3A_51 : vector<16xi1>, vector<16xi32>
      %add3A_255 = arith.addi %add3A_250, %select_n3A_254 : vector<16xi32>
      %broadcast_in_dim3A_256 = arith.constant 88.8888854 : f32
      %broadcast_in_dim3A_257 = vector.broadcast %broadcast_in_dim3A_256 : f32 to vector<16xf32>
      %ge3A_258 = arith.cmpf oge, %get3A_209, %broadcast_in_dim3A_257 : vector<16xf32>
      %select_n3A_259 = arith.select %ge3A_258, %broadcast_in_dim3A_49, %broadcast_in_dim3A_51 : vector<16xi1>, vector<16xi32>
      %add3A_260 = arith.addi %add3A_255, %select_n3A_259 : vector<16xi32>
      %broadcast_in_dim3A_261 = arith.constant 1.000000e+02 : f32
      %broadcast_in_dim3A_262 = vector.broadcast %broadcast_in_dim3A_261 : f32 to vector<16xf32>
      %ge3A_263 = arith.cmpf oge, %get3A_209, %broadcast_in_dim3A_262 : vector<16xf32>
      %select_n3A_264 = arith.select %ge3A_263, %broadcast_in_dim3A_49, %broadcast_in_dim3A_51 : vector<16xi1>, vector<16xi32>
      %add3A_265 = arith.addi %add3A_260, %select_n3A_264 : vector<16xi32>
      %mul3A_266 = arith.constant 16 : i32
      %mul3A_267 = arith.muli %scan3A_203, %mul3A_266 : i32
      %swap3A = arith.constant 1 : i32
      %swap3A_268 = arith.index_cast %swap3A : i32 to index
      %swap3A_269 = arith.index_cast %mul3A_267 : i32 to index
      %swap3A_270 = tpu.vector_load %arg11[%swap3A_268, %swap3A_269] {strides = array<i32>} : memref<4x128xi32, #tpu.memory_space<vmem>>, vector<1x16xi32>,
      %swap3A_271 = vector.shape_cast %swap3A_270 : vector<1x16xi32> to vector<16xi32>
      %swap3A_272 = vector.shape_cast %add3A_265 : vector<16xi32> to vector<1x16xi32>
      tpu.vector_store %arg11[%swap3A_268, %swap3A_269], %swap3A_272 {strides = array<i32>} : memref<4x128xi32, #tpu.memory_space<vmem>>, vector<1x16xi32>,
    }
    %scan3A_62 = arith.constant 8 : i32
    %scan3A_63 = arith.constant 0 : i32
    %scan3A_64 = arith.constant 0 : i32
    %scan3A_65 = arith.constant 8 : i32
    %scan3A_66 = arith.addi %scan3A_64, %scan3A_65 : i32
    %scan3A_67 = arith.constant 1 : i32
    scf.for %scan3A_203 = %scan3A_64 to %scan3A_66 step %scan3A_67  : i32 {
      %mul3A_204 = arith.constant 16 : i32
      %mul3A_205 = arith.muli %scan3A_203, %mul3A_204 : i32
      %add3A_206 = arith.constant 256 : i32
      %add3A_207 = arith.addi %add3A_206, %mul3A_205 : i32
      %get3A = arith.index_cast %add3A_207 : i32 to index
      %get3A_208 = tpu.vector_load %arg10[%get3A] {strides = array<i32>} : memref<512xf32, #tpu.memory_space<vmem>>, vector<16xf32>,
      %get3A_209 = vector.shape_cast %get3A_208 : vector<16xf32> to vector<16xf32>
      %mul3A_210 = arith.constant 16 : i32
      %mul3A_211 = arith.muli %scan3A_203, %mul3A_210 : i32
      %add3A_212 = arith.constant 256 : i32
      %add3A_213 = arith.addi %add3A_212, %mul3A_211 : i32
      %get3A_214 = arith.index_cast %add3A_213 : i32 to index
      %get3A_215 = tpu.vector_load %arg9[%get3A_214] {strides = array<i32>} : memref<512xi32, #tpu.memory_space<vmem>>, vector<16xi32>,
      %get3A_216 = vector.shape_cast %get3A_215 : vector<16xi32> to vector<16xi32>
      %mul3A_217 = arith.muli %get3A_216, %broadcast_in_dim3A_47 : vector<16xi32>
      %broadcast_in_dim3A_218 = arith.constant 0.000000e+00 : f32
      %broadcast_in_dim3A_219 = vector.broadcast %broadcast_in_dim3A_218 : f32 to vector<16xf32>
      %ge3A = arith.cmpf oge, %get3A_209, %broadcast_in_dim3A_219 : vector<16xf32>
      %select_n3A = arith.select %ge3A, %broadcast_in_dim3A_49, %broadcast_in_dim3A_51 : vector<16xi1>, vector<16xi32>
      %add3A_220 = arith.addi %mul3A_217, %select_n3A : vector<16xi32>
      %broadcast_in_dim3A_221 = arith.constant 11.1111107 : f32
      %broadcast_in_dim3A_222 = vector.broadcast %broadcast_in_dim3A_221 : f32 to vector<16xf32>
      %ge3A_223 = arith.cmpf oge, %get3A_209, %broadcast_in_dim3A_222 : vector<16xf32>
      %select_n3A_224 = arith.select %ge3A_223, %broadcast_in_dim3A_49, %broadcast_in_dim3A_51 : vector<16xi1>, vector<16xi32>
      %add3A_225 = arith.addi %add3A_220, %select_n3A_224 : vector<16xi32>
      %broadcast_in_dim3A_226 = arith.constant 22.2222214 : f32
      %broadcast_in_dim3A_227 = vector.broadcast %broadcast_in_dim3A_226 : f32 to vector<16xf32>
      %ge3A_228 = arith.cmpf oge, %get3A_209, %broadcast_in_dim3A_227 : vector<16xf32>
      %select_n3A_229 = arith.select %ge3A_228, %broadcast_in_dim3A_49, %broadcast_in_dim3A_51 : vector<16xi1>, vector<16xi32>
      %add3A_230 = arith.addi %add3A_225, %select_n3A_229 : vector<16xi32>
      %broadcast_in_dim3A_231 = arith.constant 33.3333321 : f32
      %broadcast_in_dim3A_232 = vector.broadcast %broadcast_in_dim3A_231 : f32 to vector<16xf32>
      %ge3A_233 = arith.cmpf oge, %get3A_209, %broadcast_in_dim3A_232 : vector<16xf32>
      %select_n3A_234 = arith.select %ge3A_233, %broadcast_in_dim3A_49, %broadcast_in_dim3A_51 : vector<16xi1>, vector<16xi32>
      %add3A_235 = arith.addi %add3A_230, %select_n3A_234 : vector<16xi32>
      %broadcast_in_dim3A_236 = arith.constant 44.4444427 : f32
      %broadcast_in_dim3A_237 = vector.broadcast %broadcast_in_dim3A_236 : f32 to vector<16xf32>
      %ge3A_238 = arith.cmpf oge, %get3A_209, %broadcast_in_dim3A_237 : vector<16xf32>
      %select_n3A_239 = arith.select %ge3A_238, %broadcast_in_dim3A_49, %broadcast_in_dim3A_51 : vector<16xi1>, vector<16xi32>
      %add3A_240 = arith.addi %add3A_235, %select_n3A_239 : vector<16xi32>
      %broadcast_in_dim3A_241 = arith.constant 55.5555573 : f32
      %broadcast_in_dim3A_242 = vector.broadcast %broadcast_in_dim3A_241 : f32 to vector<16xf32>
      %ge3A_243 = arith.cmpf oge, %get3A_209, %broadcast_in_dim3A_242 : vector<16xf32>
      %select_n3A_244 = arith.select %ge3A_243, %broadcast_in_dim3A_49, %broadcast_in_dim3A_51 : vector<16xi1>, vector<16xi32>
      %add3A_245 = arith.addi %add3A_240, %select_n3A_244 : vector<16xi32>
      %broadcast_in_dim3A_246 = arith.constant 66.6666641 : f32
      %broadcast_in_dim3A_247 = vector.broadcast %broadcast_in_dim3A_246 : f32 to vector<16xf32>
      %ge3A_248 = arith.cmpf oge, %get3A_209, %broadcast_in_dim3A_247 : vector<16xf32>
      %select_n3A_249 = arith.select %ge3A_248, %broadcast_in_dim3A_49, %broadcast_in_dim3A_51 : vector<16xi1>, vector<16xi32>
      %add3A_250 = arith.addi %add3A_245, %select_n3A_249 : vector<16xi32>
      %broadcast_in_dim3A_251 = arith.constant 77.7777786 : f32
      %broadcast_in_dim3A_252 = vector.broadcast %broadcast_in_dim3A_251 : f32 to vector<16xf32>
      %ge3A_253 = arith.cmpf oge, %get3A_209, %broadcast_in_dim3A_252 : vector<16xf32>
      %select_n3A_254 = arith.select %ge3A_253, %broadcast_in_dim3A_49, %broadcast_in_dim3A_51 : vector<16xi1>, vector<16xi32>
      %add3A_255 = arith.addi %add3A_250, %select_n3A_254 : vector<16xi32>
      %broadcast_in_dim3A_256 = arith.constant 88.8888854 : f32
      %broadcast_in_dim3A_257 = vector.broadcast %broadcast_in_dim3A_256 : f32 to vector<16xf32>
      %ge3A_258 = arith.cmpf oge, %get3A_209, %broadcast_in_dim3A_257 : vector<16xf32>
      %select_n3A_259 = arith.select %ge3A_258, %broadcast_in_dim3A_49, %broadcast_in_dim3A_51 : vector<16xi1>, vector<16xi32>
      %add3A_260 = arith.addi %add3A_255, %select_n3A_259 : vector<16xi32>
      %broadcast_in_dim3A_261 = arith.constant 1.000000e+02 : f32
      %broadcast_in_dim3A_262 = vector.broadcast %broadcast_in_dim3A_261 : f32 to vector<16xf32>
      %ge3A_263 = arith.cmpf oge, %get3A_209, %broadcast_in_dim3A_262 : vector<16xf32>
      %select_n3A_264 = arith.select %ge3A_263, %broadcast_in_dim3A_49, %broadcast_in_dim3A_51 : vector<16xi1>, vector<16xi32>
      %add3A_265 = arith.addi %add3A_260, %select_n3A_264 : vector<16xi32>
      %mul3A_266 = arith.constant 16 : i32
      %mul3A_267 = arith.muli %scan3A_203, %mul3A_266 : i32
      %swap3A = arith.constant 2 : i32
      %swap3A_268 = arith.index_cast %swap3A : i32 to index
      %swap3A_269 = arith.index_cast %mul3A_267 : i32 to index
      %swap3A_270 = tpu.vector_load %arg11[%swap3A_268, %swap3A_269] {strides = array<i32>} : memref<4x128xi32, #tpu.memory_space<vmem>>, vector<1x16xi32>,
      %swap3A_271 = vector.shape_cast %swap3A_270 : vector<1x16xi32> to vector<16xi32>
      %swap3A_272 = vector.shape_cast %add3A_265 : vector<16xi32> to vector<1x16xi32>
      tpu.vector_store %arg11[%swap3A_268, %swap3A_269], %swap3A_272 {strides = array<i32>} : memref<4x128xi32, #tpu.memory_space<vmem>>, vector<1x16xi32>,
    }
    %scan3A_68 = arith.constant 8 : i32
    %scan3A_69 = arith.constant 0 : i32
    %scan3A_70 = arith.constant 0 : i32
    %scan3A_71 = arith.constant 8 : i32
    %scan3A_72 = arith.addi %scan3A_70, %scan3A_71 : i32
    %scan3A_73 = arith.constant 1 : i32
    scf.for %scan3A_203 = %scan3A_70 to %scan3A_72 step %scan3A_73  : i32 {
      %mul3A_204 = arith.constant 16 : i32
      %mul3A_205 = arith.muli %scan3A_203, %mul3A_204 : i32
      %add3A_206 = arith.constant 384 : i32
      %add3A_207 = arith.addi %add3A_206, %mul3A_205 : i32
      %get3A = arith.index_cast %add3A_207 : i32 to index
      %get3A_208 = tpu.vector_load %arg10[%get3A] {strides = array<i32>} : memref<512xf32, #tpu.memory_space<vmem>>, vector<16xf32>,
      %get3A_209 = vector.shape_cast %get3A_208 : vector<16xf32> to vector<16xf32>
      %mul3A_210 = arith.constant 16 : i32
      %mul3A_211 = arith.muli %scan3A_203, %mul3A_210 : i32
      %add3A_212 = arith.constant 384 : i32
      %add3A_213 = arith.addi %add3A_212, %mul3A_211 : i32
      %get3A_214 = arith.index_cast %add3A_213 : i32 to index
      %get3A_215 = tpu.vector_load %arg9[%get3A_214] {strides = array<i32>} : memref<512xi32, #tpu.memory_space<vmem>>, vector<16xi32>,
      %get3A_216 = vector.shape_cast %get3A_215 : vector<16xi32> to vector<16xi32>
      %mul3A_217 = arith.muli %get3A_216, %broadcast_in_dim3A_47 : vector<16xi32>
      %broadcast_in_dim3A_218 = arith.constant 0.000000e+00 : f32
      %broadcast_in_dim3A_219 = vector.broadcast %broadcast_in_dim3A_218 : f32 to vector<16xf32>
      %ge3A = arith.cmpf oge, %get3A_209, %broadcast_in_dim3A_219 : vector<16xf32>
      %select_n3A = arith.select %ge3A, %broadcast_in_dim3A_49, %broadcast_in_dim3A_51 : vector<16xi1>, vector<16xi32>
      %add3A_220 = arith.addi %mul3A_217, %select_n3A : vector<16xi32>
      %broadcast_in_dim3A_221 = arith.constant 11.1111107 : f32
      %broadcast_in_dim3A_222 = vector.broadcast %broadcast_in_dim3A_221 : f32 to vector<16xf32>
      %ge3A_223 = arith.cmpf oge, %get3A_209, %broadcast_in_dim3A_222 : vector<16xf32>
      %select_n3A_224 = arith.select %ge3A_223, %broadcast_in_dim3A_49, %broadcast_in_dim3A_51 : vector<16xi1>, vector<16xi32>
      %add3A_225 = arith.addi %add3A_220, %select_n3A_224 : vector<16xi32>
      %broadcast_in_dim3A_226 = arith.constant 22.2222214 : f32
      %broadcast_in_dim3A_227 = vector.broadcast %broadcast_in_dim3A_226 : f32 to vector<16xf32>
      %ge3A_228 = arith.cmpf oge, %get3A_209, %broadcast_in_dim3A_227 : vector<16xf32>
      %select_n3A_229 = arith.select %ge3A_228, %broadcast_in_dim3A_49, %broadcast_in_dim3A_51 : vector<16xi1>, vector<16xi32>
      %add3A_230 = arith.addi %add3A_225, %select_n3A_229 : vector<16xi32>
      %broadcast_in_dim3A_231 = arith.constant 33.3333321 : f32
      %broadcast_in_dim3A_232 = vector.broadcast %broadcast_in_dim3A_231 : f32 to vector<16xf32>
      %ge3A_233 = arith.cmpf oge, %get3A_209, %broadcast_in_dim3A_232 : vector<16xf32>
      %select_n3A_234 = arith.select %ge3A_233, %broadcast_in_dim3A_49, %broadcast_in_dim3A_51 : vector<16xi1>, vector<16xi32>
      %add3A_235 = arith.addi %add3A_230, %select_n3A_234 : vector<16xi32>
      %broadcast_in_dim3A_236 = arith.constant 44.4444427 : f32
      %broadcast_in_dim3A_237 = vector.broadcast %broadcast_in_dim3A_236 : f32 to vector<16xf32>
      %ge3A_238 = arith.cmpf oge, %get3A_209, %broadcast_in_dim3A_237 : vector<16xf32>
      %select_n3A_239 = arith.select %ge3A_238, %broadcast_in_dim3A_49, %broadcast_in_dim3A_51 : vector<16xi1>, vector<16xi32>
      %add3A_240 = arith.addi %add3A_235, %select_n3A_239 : vector<16xi32>
      %broadcast_in_dim3A_241 = arith.constant 55.5555573 : f32
      %broadcast_in_dim3A_242 = vector.broadcast %broadcast_in_dim3A_241 : f32 to vector<16xf32>
      %ge3A_243 = arith.cmpf oge, %get3A_209, %broadcast_in_dim3A_242 : vector<16xf32>
      %select_n3A_244 = arith.select %ge3A_243, %broadcast_in_dim3A_49, %broadcast_in_dim3A_51 : vector<16xi1>, vector<16xi32>
      %add3A_245 = arith.addi %add3A_240, %select_n3A_244 : vector<16xi32>
      %broadcast_in_dim3A_246 = arith.constant 66.6666641 : f32
      %broadcast_in_dim3A_247 = vector.broadcast %broadcast_in_dim3A_246 : f32 to vector<16xf32>
      %ge3A_248 = arith.cmpf oge, %get3A_209, %broadcast_in_dim3A_247 : vector<16xf32>
      %select_n3A_249 = arith.select %ge3A_248, %broadcast_in_dim3A_49, %broadcast_in_dim3A_51 : vector<16xi1>, vector<16xi32>
      %add3A_250 = arith.addi %add3A_245, %select_n3A_249 : vector<16xi32>
      %broadcast_in_dim3A_251 = arith.constant 77.7777786 : f32
      %broadcast_in_dim3A_252 = vector.broadcast %broadcast_in_dim3A_251 : f32 to vector<16xf32>
      %ge3A_253 = arith.cmpf oge, %get3A_209, %broadcast_in_dim3A_252 : vector<16xf32>
      %select_n3A_254 = arith.select %ge3A_253, %broadcast_in_dim3A_49, %broadcast_in_dim3A_51 : vector<16xi1>, vector<16xi32>
      %add3A_255 = arith.addi %add3A_250, %select_n3A_254 : vector<16xi32>
      %broadcast_in_dim3A_256 = arith.constant 88.8888854 : f32
      %broadcast_in_dim3A_257 = vector.broadcast %broadcast_in_dim3A_256 : f32 to vector<16xf32>
      %ge3A_258 = arith.cmpf oge, %get3A_209, %broadcast_in_dim3A_257 : vector<16xf32>
      %select_n3A_259 = arith.select %ge3A_258, %broadcast_in_dim3A_49, %broadcast_in_dim3A_51 : vector<16xi1>, vector<16xi32>
      %add3A_260 = arith.addi %add3A_255, %select_n3A_259 : vector<16xi32>
      %broadcast_in_dim3A_261 = arith.constant 1.000000e+02 : f32
      %broadcast_in_dim3A_262 = vector.broadcast %broadcast_in_dim3A_261 : f32 to vector<16xf32>
      %ge3A_263 = arith.cmpf oge, %get3A_209, %broadcast_in_dim3A_262 : vector<16xf32>
      %select_n3A_264 = arith.select %ge3A_263, %broadcast_in_dim3A_49, %broadcast_in_dim3A_51 : vector<16xi1>, vector<16xi32>
      %add3A_265 = arith.addi %add3A_260, %select_n3A_264 : vector<16xi32>
      %mul3A_266 = arith.constant 16 : i32
      %mul3A_267 = arith.muli %scan3A_203, %mul3A_266 : i32
      %swap3A = arith.constant 3 : i32
      %swap3A_268 = arith.index_cast %swap3A : i32 to index
      %swap3A_269 = arith.index_cast %mul3A_267 : i32 to index
      %swap3A_270 = tpu.vector_load %arg11[%swap3A_268, %swap3A_269] {strides = array<i32>} : memref<4x128xi32, #tpu.memory_space<vmem>>, vector<1x16xi32>,
      %swap3A_271 = vector.shape_cast %swap3A_270 : vector<1x16xi32> to vector<16xi32>
      %swap3A_272 = vector.shape_cast %add3A_265 : vector<16xi32> to vector<1x16xi32>
      tpu.vector_store %arg11[%swap3A_268, %swap3A_269], %swap3A_272 {strides = array<i32>} : memref<4x128xi32, #tpu.memory_space<vmem>>, vector<1x16xi32>,
    }
    %scan3A_74 = arith.constant 8 : i32
    %barrier3A = arith.constant 0 : index
    tpu.barrier barrier_id(%barrier3A)
    %dma_start3A_75 = arith.constant 0 : i32
    %dma_start3A_76 = arith.constant 0 : i32
    %dma_start3A_77 = arith.constant 0 : i32
    %dma_start3A_78 = tpu.memref_slice %arg13[%dma_start3A_76, %dma_start3A_77] : memref<512x64xf32, #tpu.memory_space<vmem>> -> memref<128x64xf32, #tpu.memory_space<vmem>>
    %dma_start3A_79 = arith.constant 0 : i32
    %dma_start3A_80 = tpu.memref_slice %arg11[%dma_start3A_75, %dma_start3A_79] : memref<4x128xi32, #tpu.memory_space<vmem>> -> memref<1x128xi32, #tpu.memory_space<vmem>>
    %dma_start3A_81 = tpu.memref_squeeze %dma_start3A_80 : memref<1x128xi32, #tpu.memory_space<vmem>> -> memref<128xi32, #tpu.memory_space<vmem>>
    %dma_start3A_82 = arith.constant 0 : i32
    %dma_start3A_83 = arith.constant 0 : i32
    %dma_start3A_84 = tpu.memref_slice %arg14[%dma_start3A_82, %dma_start3A_83] : memref<33x64xf32, #tpu.memory_space<vmem_shared>> -> memref<33x64xf32, #tpu.memory_space<vmem_shared>>
    tpu.enqueue_indirect_dma source(%dma_start3A_84 : memref<33x64xf32, #tpu.memory_space<vmem_shared>>) target(%dma_start3A_78 : memref<128x64xf32, #tpu.memory_space<vmem>>) offsets(%dma_start3A_81 : memref<128xi32, #tpu.memory_space<vmem>>) semaphore(%arg16 : memref<!tpu.dma_semaphore, #tpu.memory_space<semaphore_mem>>)
    %dma_start3A_85 = arith.constant 1 : i32
    %dma_start3A_86 = arith.constant 128 : i32
    %dma_start3A_87 = arith.constant 0 : i32
    %dma_start3A_88 = tpu.memref_slice %arg13[%dma_start3A_86, %dma_start3A_87] : memref<512x64xf32, #tpu.memory_space<vmem>> -> memref<128x64xf32, #tpu.memory_space<vmem>>
    %dma_start3A_89 = arith.constant 0 : i32
    %dma_start3A_90 = tpu.memref_slice %arg11[%dma_start3A_85, %dma_start3A_89] : memref<4x128xi32, #tpu.memory_space<vmem>> -> memref<1x128xi32, #tpu.memory_space<vmem>>
    %dma_start3A_91 = tpu.memref_squeeze %dma_start3A_90 : memref<1x128xi32, #tpu.memory_space<vmem>> -> memref<128xi32, #tpu.memory_space<vmem>>
    %dma_start3A_92 = arith.constant 0 : i32
    %dma_start3A_93 = arith.constant 0 : i32
    %dma_start3A_94 = tpu.memref_slice %arg14[%dma_start3A_92, %dma_start3A_93] : memref<33x64xf32, #tpu.memory_space<vmem_shared>> -> memref<33x64xf32, #tpu.memory_space<vmem_shared>>
    tpu.enqueue_indirect_dma source(%dma_start3A_94 : memref<33x64xf32, #tpu.memory_space<vmem_shared>>) target(%dma_start3A_88 : memref<128x64xf32, #tpu.memory_space<vmem>>) offsets(%dma_start3A_91 : memref<128xi32, #tpu.memory_space<vmem>>) semaphore(%arg16 : memref<!tpu.dma_semaphore, #tpu.memory_space<semaphore_mem>>)
    %dma_start3A_95 = arith.constant 2 : i32
    %dma_start3A_96 = arith.constant 256 : i32
    %dma_start3A_97 = arith.constant 0 : i32
    %dma_start3A_98 = tpu.memref_slice %arg13[%dma_start3A_96, %dma_start3A_97] : memref<512x64xf32, #tpu.memory_space<vmem>> -> memref<128x64xf32, #tpu.memory_space<vmem>>
    %dma_start3A_99 = arith.constant 0 : i32
    %dma_start3A_100 = tpu.memref_slice %arg11[%dma_start3A_95, %dma_start3A_99] : memref<4x128xi32, #tpu.memory_space<vmem>> -> memref<1x128xi32, #tpu.memory_space<vmem>>
    %dma_start3A_101 = tpu.memref_squeeze %dma_start3A_100 : memref<1x128xi32, #tpu.memory_space<vmem>> -> memref<128xi32, #tpu.memory_space<vmem>>
    %dma_start3A_102 = arith.constant 0 : i32
    %dma_start3A_103 = arith.constant 0 : i32
    %dma_start3A_104 = tpu.memref_slice %arg14[%dma_start3A_102, %dma_start3A_103] : memref<33x64xf32, #tpu.memory_space<vmem_shared>> -> memref<33x64xf32, #tpu.memory_space<vmem_shared>>
    tpu.enqueue_indirect_dma source(%dma_start3A_104 : memref<33x64xf32, #tpu.memory_space<vmem_shared>>) target(%dma_start3A_98 : memref<128x64xf32, #tpu.memory_space<vmem>>) offsets(%dma_start3A_101 : memref<128xi32, #tpu.memory_space<vmem>>) semaphore(%arg16 : memref<!tpu.dma_semaphore, #tpu.memory_space<semaphore_mem>>)
    %dma_start3A_105 = arith.constant 3 : i32
    %dma_start3A_106 = arith.constant 384 : i32
    %dma_start3A_107 = arith.constant 0 : i32
    %dma_start3A_108 = tpu.memref_slice %arg13[%dma_start3A_106, %dma_start3A_107] : memref<512x64xf32, #tpu.memory_space<vmem>> -> memref<128x64xf32, #tpu.memory_space<vmem>>
    %dma_start3A_109 = arith.constant 0 : i32
    %dma_start3A_110 = tpu.memref_slice %arg11[%dma_start3A_105, %dma_start3A_109] : memref<4x128xi32, #tpu.memory_space<vmem>> -> memref<1x128xi32, #tpu.memory_space<vmem>>
    %dma_start3A_111 = tpu.memref_squeeze %dma_start3A_110 : memref<1x128xi32, #tpu.memory_space<vmem>> -> memref<128xi32, #tpu.memory_space<vmem>>
    %dma_start3A_112 = arith.constant 0 : i32
    %dma_start3A_113 = arith.constant 0 : i32
    %dma_start3A_114 = tpu.memref_slice %arg14[%dma_start3A_112, %dma_start3A_113] : memref<33x64xf32, #tpu.memory_space<vmem_shared>> -> memref<33x64xf32, #tpu.memory_space<vmem_shared>>
    tpu.enqueue_indirect_dma source(%dma_start3A_114 : memref<33x64xf32, #tpu.memory_space<vmem_shared>>) target(%dma_start3A_108 : memref<128x64xf32, #tpu.memory_space<vmem>>) offsets(%dma_start3A_111 : memref<128xi32, #tpu.memory_space<vmem>>) semaphore(%arg16 : memref<!tpu.dma_semaphore, #tpu.memory_space<semaphore_mem>>)
    %dma_wait3A_115 = arith.constant 0 : i32
    %dma_wait3A_116 = arith.constant 0 : i32
    %dma_wait3A_117 = tpu.memref_slice %arg12[%dma_wait3A_115, %dma_wait3A_116] : memref<512x32xf32, #tpu.memory_space<vmem>> -> memref<128x32xf32, #tpu.memory_space<vmem>>
    %dma_wait3A_118 = arith.constant 0 : i32
    %dma_wait3A_119 = tpu.memref_slice %arg8[%dma_wait3A_118] : memref<512xi32, #tpu.memory_space<vmem>> -> memref<128xi32, #tpu.memory_space<vmem>>
    %dma_wait3A_120 = arith.constant 0 : i32
    %dma_wait3A_121 = arith.constant 0 : i32
    %dma_wait3A_122 = tpu.memref_slice %arg5[%dma_wait3A_120, %dma_wait3A_121] : memref<100001x32xf32, #tpu.memory_space<hbm>> -> memref<100001x32xf32, #tpu.memory_space<hbm>>
    tpu.wait_indirect_dma semaphore(%arg15 : memref<!tpu.dma_semaphore, #tpu.memory_space<semaphore_mem>>) src(%dma_wait3A_122 : memref<100001x32xf32, #tpu.memory_space<hbm>>) dst(%dma_wait3A_117 : memref<128x32xf32, #tpu.memory_space<vmem>>)
    %dma_wait3A_123 = arith.constant 128 : i32
    %dma_wait3A_124 = arith.constant 0 : i32
    %dma_wait3A_125 = tpu.memref_slice %arg12[%dma_wait3A_123, %dma_wait3A_124] : memref<512x32xf32, #tpu.memory_space<vmem>> -> memref<128x32xf32, #tpu.memory_space<vmem>>
    %dma_wait3A_126 = arith.constant 128 : i32
    %dma_wait3A_127 = tpu.memref_slice %arg8[%dma_wait3A_126] : memref<512xi32, #tpu.memory_space<vmem>> -> memref<128xi32, #tpu.memory_space<vmem>>
    %dma_wait3A_128 = arith.constant 0 : i32
    %dma_wait3A_129 = arith.constant 0 : i32
    %dma_wait3A_130 = tpu.memref_slice %arg5[%dma_wait3A_128, %dma_wait3A_129] : memref<100001x32xf32, #tpu.memory_space<hbm>> -> memref<100001x32xf32, #tpu.memory_space<hbm>>
    tpu.wait_indirect_dma semaphore(%arg15 : memref<!tpu.dma_semaphore, #tpu.memory_space<semaphore_mem>>) src(%dma_wait3A_130 : memref<100001x32xf32, #tpu.memory_space<hbm>>) dst(%dma_wait3A_125 : memref<128x32xf32, #tpu.memory_space<vmem>>)
    %dma_wait3A_131 = arith.constant 256 : i32
    %dma_wait3A_132 = arith.constant 0 : i32
    %dma_wait3A_133 = tpu.memref_slice %arg12[%dma_wait3A_131, %dma_wait3A_132] : memref<512x32xf32, #tpu.memory_space<vmem>> -> memref<128x32xf32, #tpu.memory_space<vmem>>
    %dma_wait3A_134 = arith.constant 256 : i32
    %dma_wait3A_135 = tpu.memref_slice %arg8[%dma_wait3A_134] : memref<512xi32, #tpu.memory_space<vmem>> -> memref<128xi32, #tpu.memory_space<vmem>>
    %dma_wait3A_136 = arith.constant 0 : i32
    %dma_wait3A_137 = arith.constant 0 : i32
    %dma_wait3A_138 = tpu.memref_slice %arg5[%dma_wait3A_136, %dma_wait3A_137] : memref<100001x32xf32, #tpu.memory_space<hbm>> -> memref<100001x32xf32, #tpu.memory_space<hbm>>
    tpu.wait_indirect_dma semaphore(%arg15 : memref<!tpu.dma_semaphore, #tpu.memory_space<semaphore_mem>>) src(%dma_wait3A_138 : memref<100001x32xf32, #tpu.memory_space<hbm>>) dst(%dma_wait3A_133 : memref<128x32xf32, #tpu.memory_space<vmem>>)
    %dma_wait3A_139 = arith.constant 384 : i32
    %dma_wait3A_140 = arith.constant 0 : i32
    %dma_wait3A_141 = tpu.memref_slice %arg12[%dma_wait3A_139, %dma_wait3A_140] : memref<512x32xf32, #tpu.memory_space<vmem>> -> memref<128x32xf32, #tpu.memory_space<vmem>>
    %dma_wait3A_142 = arith.constant 384 : i32
    %dma_wait3A_143 = tpu.memref_slice %arg8[%dma_wait3A_142] : memref<512xi32, #tpu.memory_space<vmem>> -> memref<128xi32, #tpu.memory_space<vmem>>
    %dma_wait3A_144 = arith.constant 0 : i32
    %dma_wait3A_145 = arith.constant 0 : i32
    %dma_wait3A_146 = tpu.memref_slice %arg5[%dma_wait3A_144, %dma_wait3A_145] : memref<100001x32xf32, #tpu.memory_space<hbm>> -> memref<100001x32xf32, #tpu.memory_space<hbm>>
    tpu.wait_indirect_dma semaphore(%arg15 : memref<!tpu.dma_semaphore, #tpu.memory_space<semaphore_mem>>) src(%dma_wait3A_146 : memref<100001x32xf32, #tpu.memory_space<hbm>>) dst(%dma_wait3A_141 : memref<128x32xf32, #tpu.memory_space<vmem>>)
    %dma_start3A_147 = arith.constant 0 : i32
    %dma_start3A_148 = tpu.memref_slice %arg7[%mul3A_2, %dma_start3A_147] : memref<16384x128xf32, #tpu.memory_space<hbm>> -> memref<512x32xf32, #tpu.memory_space<hbm>>
    %dma_start3A_149 = arith.constant 0 : i32
    %dma_start3A_150 = tpu.memref_slice %arg7[%mul3A_2, %dma_start3A_149] : memref<16384x128xf32, #tpu.memory_space<hbm>> -> memref<512x32xf32, #tpu.memory_space<hbm>>
    tpu.enqueue_dma source(%arg12 : memref<512x32xf32, #tpu.memory_space<vmem>>) target(%dma_start3A_150 : memref<512x32xf32, #tpu.memory_space<hbm>>) target_semaphore(%arg17 : memref<!tpu.dma_semaphore, #tpu.memory_space<semaphore_mem>>)
    %dma_wait3A_151 = arith.constant 0 : i32
    %dma_wait3A_152 = arith.constant 0 : i32
    %dma_wait3A_153 = arith.constant 0 : i32
    %dma_wait3A_154 = tpu.memref_slice %arg13[%dma_wait3A_152, %dma_wait3A_153] : memref<512x64xf32, #tpu.memory_space<vmem>> -> memref<128x64xf32, #tpu.memory_space<vmem>>
    %dma_wait3A_155 = arith.constant 0 : i32
    %dma_wait3A_156 = tpu.memref_slice %arg11[%dma_wait3A_151, %dma_wait3A_155] : memref<4x128xi32, #tpu.memory_space<vmem>> -> memref<1x128xi32, #tpu.memory_space<vmem>>
    %dma_wait3A_157 = tpu.memref_squeeze %dma_wait3A_156 : memref<1x128xi32, #tpu.memory_space<vmem>> -> memref<128xi32, #tpu.memory_space<vmem>>
    %dma_wait3A_158 = arith.constant 0 : i32
    %dma_wait3A_159 = arith.constant 0 : i32
    %dma_wait3A_160 = tpu.memref_slice %arg14[%dma_wait3A_158, %dma_wait3A_159] : memref<33x64xf32, #tpu.memory_space<vmem_shared>> -> memref<33x64xf32, #tpu.memory_space<vmem_shared>>
    tpu.wait_indirect_dma semaphore(%arg16 : memref<!tpu.dma_semaphore, #tpu.memory_space<semaphore_mem>>) src(%dma_wait3A_160 : memref<33x64xf32, #tpu.memory_space<vmem_shared>>) dst(%dma_wait3A_154 : memref<128x64xf32, #tpu.memory_space<vmem>>)
    %dma_wait3A_161 = arith.constant 1 : i32
    %dma_wait3A_162 = arith.constant 128 : i32
    %dma_wait3A_163 = arith.constant 0 : i32
    %dma_wait3A_164 = tpu.memref_slice %arg13[%dma_wait3A_162, %dma_wait3A_163] : memref<512x64xf32, #tpu.memory_space<vmem>> -> memref<128x64xf32, #tpu.memory_space<vmem>>
    %dma_wait3A_165 = arith.constant 0 : i32
    %dma_wait3A_166 = tpu.memref_slice %arg11[%dma_wait3A_161, %dma_wait3A_165] : memref<4x128xi32, #tpu.memory_space<vmem>> -> memref<1x128xi32, #tpu.memory_space<vmem>>
    %dma_wait3A_167 = tpu.memref_squeeze %dma_wait3A_166 : memref<1x128xi32, #tpu.memory_space<vmem>> -> memref<128xi32, #tpu.memory_space<vmem>>
    %dma_wait3A_168 = arith.constant 0 : i32
    %dma_wait3A_169 = arith.constant 0 : i32
    %dma_wait3A_170 = tpu.memref_slice %arg14[%dma_wait3A_168, %dma_wait3A_169] : memref<33x64xf32, #tpu.memory_space<vmem_shared>> -> memref<33x64xf32, #tpu.memory_space<vmem_shared>>
    tpu.wait_indirect_dma semaphore(%arg16 : memref<!tpu.dma_semaphore, #tpu.memory_space<semaphore_mem>>) src(%dma_wait3A_170 : memref<33x64xf32, #tpu.memory_space<vmem_shared>>) dst(%dma_wait3A_164 : memref<128x64xf32, #tpu.memory_space<vmem>>)
    %dma_wait3A_171 = arith.constant 2 : i32
    %dma_wait3A_172 = arith.constant 256 : i32
    %dma_wait3A_173 = arith.constant 0 : i32
    %dma_wait3A_174 = tpu.memref_slice %arg13[%dma_wait3A_172, %dma_wait3A_173] : memref<512x64xf32, #tpu.memory_space<vmem>> -> memref<128x64xf32, #tpu.memory_space<vmem>>
    %dma_wait3A_175 = arith.constant 0 : i32
    %dma_wait3A_176 = tpu.memref_slice %arg11[%dma_wait3A_171, %dma_wait3A_175] : memref<4x128xi32, #tpu.memory_space<vmem>> -> memref<1x128xi32, #tpu.memory_space<vmem>>
    %dma_wait3A_177 = tpu.memref_squeeze %dma_wait3A_176 : memref<1x128xi32, #tpu.memory_space<vmem>> -> memref<128xi32, #tpu.memory_space<vmem>>
    %dma_wait3A_178 = arith.constant 0 : i32
    %dma_wait3A_179 = arith.constant 0 : i32
    %dma_wait3A_180 = tpu.memref_slice %arg14[%dma_wait3A_178, %dma_wait3A_179] : memref<33x64xf32, #tpu.memory_space<vmem_shared>> -> memref<33x64xf32, #tpu.memory_space<vmem_shared>>
    tpu.wait_indirect_dma semaphore(%arg16 : memref<!tpu.dma_semaphore, #tpu.memory_space<semaphore_mem>>) src(%dma_wait3A_180 : memref<33x64xf32, #tpu.memory_space<vmem_shared>>) dst(%dma_wait3A_174 : memref<128x64xf32, #tpu.memory_space<vmem>>)
    %dma_wait3A_181 = arith.constant 3 : i32
    %dma_wait3A_182 = arith.constant 384 : i32
    %dma_wait3A_183 = arith.constant 0 : i32
    %dma_wait3A_184 = tpu.memref_slice %arg13[%dma_wait3A_182, %dma_wait3A_183] : memref<512x64xf32, #tpu.memory_space<vmem>> -> memref<128x64xf32, #tpu.memory_space<vmem>>
    %dma_wait3A_185 = arith.constant 0 : i32
    %dma_wait3A_186 = tpu.memref_slice %arg11[%dma_wait3A_181, %dma_wait3A_185] : memref<4x128xi32, #tpu.memory_space<vmem>> -> memref<1x128xi32, #tpu.memory_space<vmem>>
    %dma_wait3A_187 = tpu.memref_squeeze %dma_wait3A_186 : memref<1x128xi32, #tpu.memory_space<vmem>> -> memref<128xi32, #tpu.memory_space<vmem>>
    %dma_wait3A_188 = arith.constant 0 : i32
    %dma_wait3A_189 = arith.constant 0 : i32
    %dma_wait3A_190 = tpu.memref_slice %arg14[%dma_wait3A_188, %dma_wait3A_189] : memref<33x64xf32, #tpu.memory_space<vmem_shared>> -> memref<33x64xf32, #tpu.memory_space<vmem_shared>>
    tpu.wait_indirect_dma semaphore(%arg16 : memref<!tpu.dma_semaphore, #tpu.memory_space<semaphore_mem>>) src(%dma_wait3A_190 : memref<33x64xf32, #tpu.memory_space<vmem_shared>>) dst(%dma_wait3A_184 : memref<128x64xf32, #tpu.memory_space<vmem>>)
    %dma_start3A_191 = arith.constant 32 : i32
    %dma_start3A_192 = tpu.memref_slice %arg7[%mul3A_2, %dma_start3A_191] : memref<16384x128xf32, #tpu.memory_space<hbm>> -> memref<512x64xf32, #tpu.memory_space<hbm>>
    %dma_start3A_193 = arith.constant 32 : i32
    %dma_start3A_194 = tpu.memref_slice %arg7[%mul3A_2, %dma_start3A_193] : memref<16384x128xf32, #tpu.memory_space<hbm>> -> memref<512x64xf32, #tpu.memory_space<hbm>>
    tpu.enqueue_dma source(%arg13 : memref<512x64xf32, #tpu.memory_space<vmem>>) target(%dma_start3A_194 : memref<512x64xf32, #tpu.memory_space<hbm>>) target_semaphore(%arg17 : memref<!tpu.dma_semaphore, #tpu.memory_space<semaphore_mem>>)
    %dma_wait3A_195 = arith.constant 0 : i32
    %dma_wait3A_196 = tpu.memref_slice %arg7[%mul3A_2, %dma_wait3A_195] : memref<16384x128xf32, #tpu.memory_space<hbm>> -> memref<512x32xf32, #tpu.memory_space<hbm>>
    %dma_wait3A_197 = arith.constant 0 : i32
    %dma_wait3A_198 = tpu.memref_slice %arg7[%mul3A_2, %dma_wait3A_197] : memref<16384x128xf32, #tpu.memory_space<hbm>> -> memref<512x32xf32, #tpu.memory_space<hbm>>
    tpu.wait_dma2 semaphore(%arg17 : memref<!tpu.dma_semaphore, #tpu.memory_space<semaphore_mem>>) src(%arg12 : memref<512x32xf32, #tpu.memory_space<vmem>>) dst(%dma_wait3A_198 : memref<512x32xf32, #tpu.memory_space<hbm>>)
    %dma_wait3A_199 = arith.constant 32 : i32
    %dma_wait3A_200 = tpu.memref_slice %arg7[%mul3A_2, %dma_wait3A_199] : memref<16384x128xf32, #tpu.memory_space<hbm>> -> memref<512x64xf32, #tpu.memory_space<hbm>>
    %dma_wait3A_201 = arith.constant 32 : i32
    %dma_wait3A_202 = tpu.memref_slice %arg7[%mul3A_2, %dma_wait3A_201] : memref<16384x128xf32, #tpu.memory_space<hbm>> -> memref<512x64xf32, #tpu.memory_space<hbm>>
    tpu.wait_dma2 semaphore(%arg17 : memref<!tpu.dma_semaphore, #tpu.memory_space<semaphore_mem>>) src(%arg13 : memref<512x64xf32, #tpu.memory_space<vmem>>) dst(%dma_wait3A_202 : memref<512x64xf32, #tpu.memory_space<hbm>>)
    return
  }
}

module attributes {stable_mosaic.version = 14 : i64} {
  func.func @_tc_transpose_body(%arg0: i32, %arg1: memref<2048x128xf32, #tpu.memory_space<vmem>>, %arg2: memref<96x2048xf32, #tpu.memory_space<vmem>>) attributes {dimension_semantics = [#tpu.dimension_semantics<arbitrary>], iteration_bounds = array<i64: 8>, scalar_prefetch = 0 : i64, scratch_operands = 0 : i64, tpu.core_type = #tpu.core_type<tc>, window_params = [{transform_indices = @transform_0, window_bounds = array<i64: 2048, 128>}, {transform_indices = @transform_1, window_bounds = array<i64: 96, 2048>}]} {
    %get3A = arith.constant 0 : index
    %get3A_0 = arith.constant 0 : index
    %get3A_1 = vector.load %arg1[%get3A, %get3A_0] : memref<2048x128xf32, #tpu.memory_space<vmem>>, vector<2048x128xf32>
    %iota3A = tpu.iota {dimensions = array<i32: 1>} : vector<2048x128xi32>
    %lt3A = arith.constant 96 : i32
    %lt3A_2 = vector.broadcast %lt3A : i32 to vector<2048x128xi32>
    %lt3A_3 = arith.cmpi slt, %iota3A, %lt3A_2 : vector<2048x128xi32>
    %jit3A = arith.constant 0.000000e+00 : f32
    %broadcast_in_dim3A = vector.broadcast %jit3A : f32 to vector<2048x128xf32>
    %select_n3A = arith.select %lt3A_3, %get3A_1, %broadcast_in_dim3A : vector<2048x128xi1>, vector<2048x128xf32>
    %iota3A_4 = tpu.iota {dimensions = array<i32: 0>} : vector<128x96xi32>
    %iota3A_5 = tpu.iota {dimensions = array<i32: 1>} : vector<128x96xi32>
    %eq3A = arith.cmpi eq, %iota3A_4, %iota3A_5 : vector<128x96xi32>
    %convert_element_type3A = arith.extui %eq3A : vector<128x96xi1> to vector<128x96xi32>
    %convert_element_type3A_6 = arith.sitofp %convert_element_type3A : vector<128x96xi32> to vector<128x96xf32>
    %dot_general3A = arith.constant dense<0.000000e+00> : vector<96x2048xf32>
    %dot_general3A_7 = tpu.matmul %convert_element_type3A_6, %select_n3A, %dot_general3A {dimension_numbers = #tpu.dot_dimension_numbers<[0], [1], [1], [0], [0, 1, 1, 0], [], []>, precision = #tpu.contract_precision<fp32>, transpose_lhs_hint = false} : vector<128x96xf32>, vector<2048x128xf32>, vector<96x2048xf32> -> vector<96x2048xf32>
    %swap3A = arith.constant 0 : index
    %swap3A_8 = arith.constant 0 : index
    %swap3A_9 = vector.load %arg2[%swap3A, %swap3A_8] : memref<96x2048xf32, #tpu.memory_space<vmem>>, vector<96x2048xf32>
    tpu.vector_store %arg2[%swap3A, %swap3A_8], %dot_general3A_7 {strides = array<i32>} : memref<96x2048xf32, #tpu.memory_space<vmem>>, vector<96x2048xf32>,
    return
  }
  func.func @transform_0(%arg0: i32) -> (i32, i32) {
    %c0_i32 = arith.constant 0 : i32
    %c0_i32_0 = arith.constant 0 : i32
    return %arg0, %c0_i32 : i32, i32
  }
  func.func @transform_1(%arg0: i32) -> (i32, i32) {
    %c0_i32 = arith.constant 0 : i32
    %c0_i32_0 = arith.constant 0 : i32
    return %c0_i32, %arg0 : i32, i32
  }
}

</mosaic_0001>

<sc_bundles>
// kernel: kernel.4.cloned.1.call-start
scs
__scs_entry_jumppad:
0x0: {  	(pc) =	sbr.rel $0x88, $3  }
0x1: {  	(tag) =	ssettag $0x0;
	lr =	simm.s32 $0x1  }
0x2: {  	[smem:$0x3F9B] =	sst lr;
	_ =	strace $0xD0000000  }
0x3: {  	_ = 	snop  }
0x4: {  	_ = 	snop  }
0x5: {  	_ = 	snop  }
0x6: {  	_ = 	snop  }
0x7: {  	_ = 	snop  }
__scs_overlays_trampoline_lowered:
0x8: {  	[smem:$0x3FAA] =	sst s0  }
0x9: {  	[smem:$0x3FAB] =	sst s1  }
0xa: {  	[smem:$0x3FAC] =	sst s2  }
0xb: {  	[smem:$0x3FAD] =	sst s3  }
0xc: {  	[smem:$0x3FAE] =	sst s4  }
0xd: {  	[smem:$0x3FAF] =	sst s5  }
0xe: {  	[smem:$0x3FB0] =	sst s6  }
0xf: {  	[smem:$0x3FB1] =	sst s7  }
0x10: {  	[smem:$0x3FB2] =	sst s8  }
0x11: {  	[smem:$0x3FB3] =	sst s9;
	s0 =	simm.s32 @!p0 $0x0  }
0x12: {  	s1 =	sld [smem:$0x3F99];
	s0 =	simm.s32 @p0 $0x1  }
0x13: {  	[smem:$0x3FB4] =	sst s0;
	s0 =	simm.s32 @!p1 $0x0  }
0x14: {  	s2 =	sld [smem:$0x3F98];
	s0 =	simm.s32 @p1 $0x1  }
0x15: {  	[smem:$0x3FB5] =	sst s0;
	s0 =	simm.s32 @!p2 $0x0  }
0x16: {  	s3 =	sld [smem:$0x3FDB];
	s0 =	simm.s32 @p2 $0x1  }
0x17: {  	s4 =	simm.s32 $0x1BF5;
	[smem:$0x3FB7] =	sst s0  }
0x18: {  	s0 =	sld [smem:$0x3F9A];
	_ =	swait.ge [sflag:s4], $0x0  }
0x19: {  	s7 =	sld [smem:$0x3F9B]  }
0x1a: {  	s8 =	sadd.s32 $0xFFFFE003, lr  }
0x1b: {  	s9 =	sadd.s32 $0xFFFFFEF7, lr;
	s5 =	simm.s32 $0xFFFFFFFF;
	p2 =	slt.u32 s8, $0xFFFFF086  }
0x1c: {  	p1 =	slt.u32 s9, $0xF7A;
	s5 =	simm.s32 @!p2 $0x0  }
0x1d: {  	s5 =	simm.s32 @p1 $0x1;
	p0 =	seq.s32 s7, s2  }
0x1e: {  	s7 =	smul.u32 @!p0 $0xF7A, s2;
	p2 =	seq.s32 @!p0 s5, $0x0  }
0x1f: {  	s9 =	smul.u32 $0xF7A, s1;
	s8 =	simm.s32 @!p0 $0x1BF5;
	p2 =	por !p2, p0  }
0x20: {  	[sflag:s8] =	ssyncset.s32 @!p0 $0xFFFFF086;
	s6 =	sadd.s32 @!p0 s3, s7;
	s7 =	simm.s32 @!p0 $0x108  }
0x21: {  	s3 =	sadd.s32 s3, s9;
	s6 =	sadd.s32 @!p0 $0x88, s6;
	s7 =	simm.s32 @p2 $0x1082  }
0x22: {  	[simem:s7], [sflag:s8] =	dma.local @!p0 [hbm:s6], $0xF7A  }
0x23: {  	s9 =	sor.u32 $0xD0000000, s2;
	s6 =	simm.s32 $0x108;
	_ =	swait.ge @!p0 [sflag:s8], $0x0  }
0x24: {  	s3 =	sadd.s32 $0x88, s3;
	s6 =	simm.s32 @!p1 $0x1082;
	[sflag:s4] =	ssyncset.s32 $0xFFFFF086  }
0x25: {  	[simem:s6], [sflag:s4] =	dma.local [hbm:s3], $0xF7A  }
0x26: {  	[smem:$0x3F9B] =	sst s1;
	(tag) =	ssettag s2;
	_ =	strace s9  }
0x27: {  	s1 =	sld [smem:$0x3FAB]  }
0x28: {  	s2 =	sld [smem:$0x3FAC]  }
0x29: {  	s4 =	sld [smem:$0x3FAE]  }
0x2a: {  	p0 =	seq.s32 s5, $0x0;
	s5 =	sld [smem:$0x3FAF]  }
0x2b: {  	s6 =	sld [smem:$0x3FB0]  }
0x2c: {  	s7 =	sld [smem:$0x3FB1]  }
0x2d: {  	s3 =	simm.s32 $0x108;
	s8 =	sld [smem:$0x3FB2]  }
0x2e: {  	s3 =	simm.s32 @!p0 $0x1082;
	s9 =	sld [smem:$0x3FB3]  }
0x2f: {  	lr =	sadd.s32 s0, s3;
	s0 =	sld [smem:$0x3FAA]  }
0x30: {  	s3 =	sld [smem:$0x3FAD]  }
0x31: {  	[smem:$0x3FB6] =	sst s10  }
0x32: {  	s10 =	sld [smem:$0x3FB4];
	_ =	sdelay $0x3  }
0x33: {  	p0 =	seq.s32 s10, $0x1;
	s10 =	sld [smem:$0x3FB6];
	_ =	sdelay $0x3  }
0x34: {  	[smem:$0x3FB6] =	sst s10  }
0x35: {  	s10 =	sld [smem:$0x3FB5];
	_ =	sdelay $0x3  }
0x36: {  	p1 =	seq.s32 s10, $0x1;
	s10 =	sld [smem:$0x3FB6];
	_ =	sdelay $0x3  }
0x37: {  	[smem:$0x3FB6] =	sst s10  }
0x38: {  	s10 =	sld [smem:$0x3FB7]  }
0x39: {  	_ = 	snop;
	(pc) =	sbr.ind lr, $3  }
0x3a: {  	_ = 	snop  }
0x3b: {  	_ = 	snop  }
0x3c: {  	p2 =	seq.s32 s10, $0x1;
	s10 =	sld [smem:$0x3FB6]  }
0x3d: {  	_ =	shalt  }
0x3e: {  	_ =	shalt  }
0x3f: {  	_ =	shalt  }
0x40: {  	_ =	shalt  }
0x41: {  	_ =	shalt  }
0x42: {  	_ =	shalt  }
0x43: {  	_ =	shalt  }
0x44: {  	_ =	shalt  }
0x45: {  	_ =	shalt  }
0x46: {  	_ =	shalt  }
0x47: {  	_ =	shalt  }
0x48: {  	_ =	shalt  }
0x49: {  	_ =	shalt  }
0x4a: {  	_ =	shalt  }
0x4b: {  	_ =	shalt  }
0x4c: {  	_ =	shalt  }
0x4d: {  	_ =	shalt  }
0x4e: {  	_ =	shalt  }
0x4f: {  	_ =	shalt  }
0x50: {  	_ =	shalt  }
0x51: {  	_ =	shalt  }
0x52: {  	_ =	shalt  }
0x53: {  	_ =	shalt  }
0x54: {  	_ =	shalt  }
0x55: {  	_ =	shalt  }
0x56: {  	_ =	shalt  }
0x57: {  	_ =	shalt  }
0x58: {  	_ =	shalt  }
0x59: {  	_ =	shalt  }
0x5a: {  	_ =	shalt  }
0x5b: {  	_ =	shalt  }
0x5c: {  	_ =	shalt  }
0x5d: {  	_ =	shalt  }
0x5e: {  	_ =	shalt  }
0x5f: {  	_ =	shalt  }
0x60: {  	_ =	shalt  }
0x61: {  	_ =	shalt  }
0x62: {  	_ =	shalt  }
0x63: {  	_ =	shalt  }
0x64: {  	_ =	shalt  }
0x65: {  	_ =	shalt  }
0x66: {  	_ =	shalt  }
0x67: {  	_ =	shalt  }
0x68: {  	_ =	shalt  }
0x69: {  	_ =	shalt  }
0x6a: {  	_ =	shalt  }
0x6b: {  	_ =	shalt  }
0x6c: {  	_ =	shalt  }
0x6d: {  	_ =	shalt  }
0x6e: {  	_ =	shalt  }
0x6f: {  	_ =	shalt  }
0x70: {  	_ =	shalt  }
0x71: {  	_ =	shalt  }
0x72: {  	_ =	shalt  }
0x73: {  	_ =	shalt  }
0x74: {  	_ =	shalt  }
0x75: {  	_ =	shalt  }
0x76: {  	_ =	shalt  }
0x77: {  	_ =	shalt  }
0x78: {  	_ =	shalt  }
0x79: {  	_ =	shalt  }
0x7a: {  	_ =	shalt  }
0x7b: {  	_ =	shalt  }
0x7c: {  	_ =	shalt  }
0x7d: {  	_ =	shalt  }
0x7e: {  	_ =	shalt  }
0x7f: {  	_ =	shalt  }
0x80: {  	_ =	shalt  }
0x81: {  	_ =	shalt  }
0x82: {  	_ =	shalt  }
0x83: {  	_ =	shalt  }
0x84: {  	_ =	shalt  }
0x85: {  	_ =	shalt  }
0x86: {  	_ =	shalt  }
0x87: {  	_ =	shalt  }
.Lfunc_end0:
.L_simem_size_0:
called_computation_lowered:
.L_overlay_start_0:
0x88: {  	s2 =	sld [smem:$0x3FD9]  }
0x89: {  	s3 =	sld [smem:$0x3FFE];
	_ =	sdelay $0x1  }
0x8a: {  	s1 =	srdreg.scid  }
0x8b: {  	s0 =	sand.u32 $0x1, s1  }
0x8c: {  	s17 =	sshll.u32 s0, $0xA;
	s2 =	sadd.s32 s3, s2  }
0x8d: {  	s2 =	sadd.s32 s2, s17  }
0x8e: {  	[smem:$0x3FC2] =	sst s2  }
0x8f: {  	_ = 	snop  }
0x90: {  	s2 =	sld [smem:$0x3FC9]  }
0x91: {  	s18 =	sld [smem:$0x3FC8]  }
0x92: {  	s4 =	sld [smem:$0x3FC7]  }
0x93: {  	s5 =	sld [smem:$0x3FD0];
	(tm) =	ssettm $0x1  }
0x94: {  	s6 =	sld [smem:$0x3FFB];
	_ =	sdelay $0x3  }
0x95: {  	_ =	strace s6  }
0x96: {  	s6 =	sld [smem:$0x3FFC];
	_ =	sdelay $0x3  }
0x97: {  	_ =	strace s6  }
0x98: {  	s6 =	sld [smem:$0x3FFD];
	_ =	sdelay $0x3  }
0x99: {  	_ =	strace s6  }
0x9a: {  	_ =	strace $0x8FFFFFFF  }
0x9b: {  	s19 =	sld [smem:$0x3FDB];
	_ =	sdelay $0x1  }
0x9c: {  	s7 =	simm.s32 $_scs_section_size  }
0x9d: {  	s8 =	simm.s32 $_size__tile_overlayer_lowered;
	s9 =	simm.s32 $_tile_overlayer_lowered  }
0x9e: {  	s22 =	simm.s32 $0x1BFF;
	s21 =	sshll.u32 s9, $0x1;
	s6 =	sadd.s32 s7, s19  }
0x9f: {  	s10 =	simm.s32 $0x0;
	s20 =	sshll.u32 s8, $0x1;
	s8 =	sadd.s32 s21, s6  }
0xa0: {  	[timem:s10], [sflag:s22] =	dma.local [hbm:s8], s20  }
0xa1: {  	_ =	swait.ge [sflag:s22], s20  }
0xa2: {  	s7 =	ssub.s32 $0x0, s20;
	[sflag:s22] =	ssyncset.done $0x0  }
0xa3: {  	[sflag:s22] =	ssyncadd.s32 s7;
	_ =	sdelay $0x1  }
0xa4: {  	s23 =	simm.s32 $0x1B8B  }
0xa5: {  	_ =	swait.ge [sflag:s23], $0x1  }
0xa6: {  	[sflag:s23] =	ssyncset.done $0x0  }
0xa7: {  	s25 =	simm.s32 $0x1B8E;
	s24 =	sld [smem:$0x3FFE];
	[sflag:s23] =	ssyncadd.s32 $0xFFFFFFFF  }
0xa8: {  	s26 =	simm.s32 $execute0_lowered;
	[smem:$0x3FD2] =	sst s25  }
0xa9: {  	s8 =	sshll.u32 s26, $0x1;
	_ =	strace $0x80000046;
	[dreg:$0x1] =	wrdreg $0xFFFFFFFF  }
0xaa: {  	s28 =	simm.s32 $_size_execute0_lowered;
	s6 =	sadd.s32 s6, s8;
	[dreg:$0x0] =	wrdreg $0x0  }
0xab: {  	s8 =	sshll.u32 s28, $0x1;
	[dreg:$0x2] =	wrdreg s6  }
0xac: {  	[dreg:$0x3] =	wrdreg s8  }
0xad: {  	[dreg:$0x4] =	wrdreg $0xC0  }
0xae: {  	_ =	task [dreg:s10], $0x5FFFF  }
0xaf: {  	[dreg:$0x1] =	wrdreg $0xFFFFFFFF  }
0xb0: {  	[dreg:$0x0] =	wrdreg $0x60  }
0xb1: {  	[dreg:$0x2] =	wrdreg s2  }
0xb2: {  	[dreg:$0x3] =	wrdreg s18  }
0xb3: {  	[dreg:$0x4] =	wrdreg s4  }
0xb4: {  	[dreg:$0x5] =	wrdreg s24  }
0xb5: {  	[dreg:$0x6] =	wrdreg s5  }
0xb6: {  	[dreg:$0x7] =	wrdreg $0xC8000  }
0xb7: {  	[dreg:$0x8] =	wrdreg $0x9  }
0xb8: {  	_ =	task.clear_ibuf [dreg:s10], $0x9FFFF;
	_ =	strace $0x90000046  }
0xb9: {  	s29 =	simm.s32 $0x9;
	_ =	strace $0x80000048  }
0xba: {  	_ =	swait.ge [sflag:s29], $0x1  }
0xbb: {  	[sflag:s29] =	ssyncadd.s32 $0xFFFFFFFF  }
0xbc: {  	_ =	strace $0x90000048  }
0xbd: {  	_ =	sfence  }
0xbe: {  	s30 =	sld [smem:$0x0];
	_ =	sdelay $0x2  }
0xbf: {  	s31 =	sshll.u32 s1, $0xD;
	s1 =	sshrl.u32 s1, $0x2  }
0xc0: {  	s3 =	sand.u32 $0x4000, s31;
	s1 =	sadd.s32 s1, s30  }
0xc1: {  	s0 =	sor.u32 s3, s0;
	s1 =	sshll.u32 s1, $0x11  }
0xc2: {  	s0 =	sor.u32 s1, s0  }
0xc3: {  	s0 =	sadd.s32 $0x8F2B, s0  }
0xc4: {  	[sflag:s0] =	ssyncadd.remote.s32 $0x1  }
0xc5: {  	_ =	sfence.sel $0xFFFF  }
0xc6: {  	[dreg:$0x0] =	wrdreg $0xFFFFFFFF;
	(pc) =	sbr.abs _section_cstart, $3  }
0xc7: {  	[dreg:$0x1] =	wrdreg $0xFFFFFFFF  }
0xc8: {  	_ =	task.clear_ibuf [dreg:s10], $0x2FFFF;
	_ =	strace $0x9FFFFFFF  }
0xc9: {  	(tm) =	ssettm $0x7FFFFFFF  }
tec
execute0_lowered:
.L_overlay_start_1:
0x0: {  	(tag) =	ssettag $0x1  }
0x1: {  	s0 =	rddreg [dreg:$0x0]  }
0x2: {  	s1 =	rddreg [dreg:$0x1]  }
0x3: {  	s7 =	rddreg [dreg:$0x2]  }
0x4: {  	s5 =	rddreg [dreg:$0x3]  }
0x5: {  	s2 =	rddreg [dreg:$0x5];
	s3 =	simm.s32 $0x0;
	s4 =	srdreg.scid  }
0x6: {  	s11 =	stileid.u32;
	s14 =	simm.s32 $0x1;
	s15 =	simm.s32 $0x80  }
0x7: {  	s16 =	simm.s32 $0x800;
	s21 =	simm.s32 $0x3800;
	s22 =	simm.s32 $0x600  }
0x8: {  	s23 =	simm.s32 $0x4800;
	s24 =	simm.s32 $0x680;
	s25 =	simm.s32 $0x6800  }
0x9: {  	s26 =	simm.s32 $0x700;
	s28 =	simm.s32 $0x8800;
	s29 =	simm.s32 $0x780  }
0xa: {  	s30 =	simm.s32 $0xA800;
	s31 =	simm.s32 $0x20;
	s12 =	simm.s32 $0x3  }
0xb: {  	s13 =	simm.s32 $0x0;
	[smem:$0x7FF] =	sst s3;
	s6 =	sand.u32 $0x1, s4  }
0xc: {  	s8 =	sshll.u32 s11, $0xA;
	s4 =	sadd.s32 $0x187600, s5;
	p0 =	sne.s32 s11, $0x0  }
0xd: {  	_ =	strace $0x80000047;
	s9 =	sshll.u32 s6, $0x9;
	s6 =	ssub.s32 $0x2, s6  }
0xe: {  	s11 =	sshrl.u32 @!p0 s2, $0x3;
	s8 =	sor.u32 s9, s8;
	s10 =	sshrl.u32 s6, $0x1  }
0xf: {  	s9 =	sshll.u32 s8, $0x4;
	s8 =	sshrl.u32 s8, $0x3;
	s10 =	ssub.s32 s6, s10  }
0x10: {  	s9 =	sadd.s32 s9, s5;
	s5 =	sadd.s32 s0, s8;
	s6 =	sadd.s32 s1, s8  }
0x11: {  	s7 =	sadd.s32 s7, s8;
	s10 =	smax.u32 s10, $0x1;
	s0 =	simm.s32 $0x2  }
0x12: {  	v0 =	vimm.s32 $0x0;
	s1 =	simm.s32 $0x40;
	s8 =	sadd.s32 $0xA00, s9;
	s9 =	sadd.s32 $0xA04, s9  }
.LBB2_1:
0x13: {  	s17 =	simm.s32 @!p0 $0x1C04;
	s18 =	rddreg [dreg:$0x4]  }
0x14: {  	[spmem:s11], [sflag:s17] =	dma.local @!p0 [hbm:s18], $0x108  }
0x15: {  	s17 =	simm.s32 @!p0 $0x4  }
0x16: {  	_ =	swait.ge @!p0 [sflag:s17], $0x108  }
0x17: {  	[sflag:s17] =	ssyncset.done @!p0 $0x0  }
0x18: {  	[sflag:s17] =	ssyncadd.s32 @!p0 $0xFFFFFEF8  }
0x19: {  	[tilespmem:s3], [sflag:$0x1] =	stream.linear.gather [hbm4b:s5+s3], $0x200, $0x38;
	[tilespmem:$0xC888] =	vst v63  }
0x1a: {  	s18 =	simm.s32 $0x200  }
0x1b: {  	[tilespmem:s18], [sflag:$0x1] =	stream.linear.gather [hbm4b:s6+s3], $0x200, $0x38;
	[tilespmem:$0xC888] =	vst v63  }
0x1c: {  	s19 =	simm.s32 $0x400  }
0x1d: {  	[tilespmem:s19], [sflag:$0x1] =	stream.linear.gather [hbm4b:s7+s3], $0x200, $0x38;
	[tilespmem:$0xC888] =	vst v63  }
0x1e: {  	_ =	swait.ge [sflag:s14], $0x200  }
0x1f: {  	[sflag:s14] =	ssyncset.done $0x0  }
0x20: {  	[sflag:s14] =	ssyncadd.s32 $0xFFFFFE00  }
0x21: {  	[tilespmem:s16], [sflag:$0x1] =	stream.indirect.gather [hbm4b:s4+s15], $0x20, s3, s15, $0xb8;
	[tilespmem:$0xC888] =	vst v63  }
0x22: {  	s20 =	simm.s32 $0x1800  }
0x23: {  	[tilespmem:s20], [sflag:$0x1] =	stream.indirect.gather [hbm4b:s4+s15], $0x20, s15, s15, $0xb8;
	[tilespmem:$0xC888] =	vst v63  }
0x24: {  	s18 =	simm.s32 $0x100;
	s19 =	simm.s32 $0x2800  }
0x25: {  	[tilespmem:s19], [sflag:$0x1] =	stream.indirect.gather [hbm4b:s4+s15], $0x20, s18, s15, $0xb8;
	[tilespmem:$0xC888] =	vst v63  }
0x26: {  	s20 =	simm.s32 $0x180  }
0x27: {  	[tilespmem:s21], [sflag:$0x1] =	stream.indirect.gather [hbm4b:s4+s15], $0x20, s20, s15, $0xb8;
	[tilespmem:$0xC888] =	vst v63  }
0x28: {  	_ =	swait.ge [sflag:s14], $0x200  }
0x29: {  	[sflag:s14] =	ssyncset.done $0x0  }
0x2a: {  	[sflag:s14] =	ssyncadd.s32 $0xFFFFFE00  }
0x2b: {  	_ =	swait.ge [sflag:s14], $0x200  }
0x2c: {  	[sflag:s14] =	ssyncset.done $0x0  }
0x2d: {  	s17 =	simm.s32 $0x0;
	[sflag:s14] =	ssyncadd.s32 $0xFFFFFE00  }
0x2e: {  	v1 =	vld [tilespmem:s17+$0x400]  }
0x2f: {  	v2 =	vld [tilespmem:s17+$0x200];
	_ =	sdelay $0x4  }
0x30: {  	v2 =	vmul.u32 $0xB, v2;
	vm0 =	vge.f32 v1, $0.0e+00  }
0x31: {  	v3 =	vsel vm0, $0x1, v0;
	vm0 =	vge.f32 v1, $1.111111070e+01  }
0x32: {  	v2 =	vadd.s32 v3, v2;
	v3 =	vsel vm0, $0x1, v0;
	vm0 =	vge.f32 v1, $2.222222140e+01  }
0x33: {  	v2 =	vadd.s32 v3, v2;
	v3 =	vsel vm0, $0x1, v0;
	vm0 =	vge.f32 v1, $3.333333210e+01  }
0x34: {  	s18 =	simm.s32 $0x10;
	v3 =	vadd.s32 v3, v2;
	v4 =	vsel vm0, $0x1, v0;
	vm0 =	vge.f32 v1, $4.444444270e+01  }
0x35: {  	s19 =	simm.s32 $0x80;
	v2 =	vld [tilespmem:s18+$0x400];
	v3 =	vadd.s32 v4, v3;
	v4 =	vsel vm0, $0x1, v0;
	vm0 =	vge.f32 v1, $5.555555730e+01  }
.LBB2_2:
0x36: {  	p1 =	sne.s32 s19, $0x1C0;
	v5 =	vld [tilespmem:s18+$0x200];
	v3 =	vadd.s32 v4, v3;
	v4 =	vsel vm0, $0x1, v0;
	vm0 =	vge.f32 v1, $6.666666410e+01  }
0x37: {  	v3 =	vadd.s32 v4, v3;
	v4 =	vsel vm0, $0x1, v0;
	vm0 =	vge.f32 v1, $7.777777860e+01  }
0x38: {  	v3 =	vadd.s32 v4, v3;
	v4 =	vsel vm0, $0x1, v0;
	vm0 =	vge.f32 v1, $8.888888540e+01  }
0x39: {  	v3 =	vadd.s32 v4, v3;
	v4 =	vsel vm0, $0x1, v0;
	vm0 =	vge.f32 v1, $1.000000000e+02  }
0x3a: {  	v3 =	vadd.s32 v4, v3;
	v4 =	vsel vm0, $0x1, v0;
	v1 =	vmov v2  }
0x3b: {  	v2 =	vmul.u32 $0xB, v5;
	vm0 =	vge.f32 v1, $0.0e+00;
	v3 =	vadd.s32 v4, v3  }
.Ltmp0:
0x3c: {  	v4 =	vsel vm0, $0x1, v0;
	vm0 =	vge.f32 v1, $1.111111070e+01;
	[tilespmem:s17+$0x600] =	vst v3;
	s17 =	smov.u32 s18;
	(pc) =	sbr.rel @p1 .LBB2_2-.Ltmp0, $4  }
0x3d: {  	v2 =	vadd.s32 v4, v2;
	v3 =	vsel vm0, $0x1, v0;
	vm0 =	vge.f32 v1, $2.222222140e+01  }
0x3e: {  	v2 =	vadd.s32 v3, v2;
	v3 =	vsel vm0, $0x1, v0;
	vm0 =	vge.f32 v1, $3.333333210e+01  }
0x3f: {  	s18 =	sshra.s32 s19, $0x2;
	v3 =	vadd.s32 v3, v2;
	v4 =	vsel vm0, $0x1, v0;
	vm0 =	vge.f32 v1, $4.444444270e+01  }
0x40: {  	s19 =	sadd.s32 $0x40, s19;
	v2 =	vld [tilespmem:s18+$0x400];
	v3 =	vadd.s32 v4, v3;
	v4 =	vsel vm0, $0x1, v0;
	vm0 =	vge.f32 v1, $5.555555730e+01  }
0x41: {  	v5 =	vld [tilespmem:s18+$0x200]  }
0x42: {  	v3 =	vadd.s32 v4, v3;
	v4 =	vsel vm0, $0x1, v0;
	vm0 =	vge.f32 v1, $6.666666410e+01  }
0x43: {  	v3 =	vadd.s32 v4, v3;
	v4 =	vsel vm0, $0x1, v0;
	vm0 =	vge.f32 v1, $7.777777860e+01  }
0x44: {  	v3 =	vadd.s32 v4, v3;
	v4 =	vsel vm0, $0x1, v0;
	vm0 =	vge.f32 v1, $8.888888540e+01  }
0x45: {  	v3 =	vadd.s32 v4, v3;
	v4 =	vsel vm0, $0x1, v0;
	vm0 =	vge.f32 v1, $1.000000000e+02  }
0x46: {  	v1 =	vsel vm0, $0x1, v0;
	vm0 =	vge.f32 v2, $0.0e+00;
	v5 =	vmul.u32 $0xB, v5  }
0x47: {  	v3 =	vadd.s32 v4, v3;
	v4 =	vsel vm0, $0x1, v0;
	vm0 =	vge.f32 v2, $1.111111070e+01  }
0x48: {  	v4 =	vadd.s32 v4, v5;
	v5 =	vsel vm0, $0x1, v0;
	vm0 =	vge.f32 v2, $2.222222140e+01  }
0x49: {  	v4 =	vadd.s32 v5, v4;
	v5 =	vsel vm0, $0x1, v0;
	vm0 =	vge.f32 v2, $3.333333210e+01  }
0x4a: {  	v4 =	vadd.s32 v5, v4;
	v5 =	vsel vm0, $0x1, v0;
	vm0 =	vge.f32 v2, $4.444444270e+01  }
0x4b: {  	v4 =	vadd.s32 v5, v4;
	v5 =	vsel vm0, $0x1, v0;
	vm0 =	vge.f32 v2, $5.555555730e+01  }
0x4c: {  	v4 =	vadd.s32 v5, v4;
	v5 =	vsel vm0, $0x1, v0;
	vm0 =	vge.f32 v2, $6.666666410e+01  }
0x4d: {  	v4 =	vadd.s32 v5, v4;
	v5 =	vsel vm0, $0x1, v0;
	vm0 =	vge.f32 v2, $7.777777860e+01  }
0x4e: {  	v4 =	vadd.s32 v5, v4;
	v5 =	vsel vm0, $0x1, v0;
	vm0 =	vge.f32 v2, $8.888888540e+01  }
0x4f: {  	v4 =	vadd.s32 v5, v4;
	v5 =	vsel vm0, $0x1, v0;
	vm0 =	vge.f32 v2, $1.000000000e+02  }
0x50: {  	v1 =	vadd.s32 v1, v3;
	v2 =	vadd.s32 v5, v4;
	v3 =	vsel vm0, $0x1, v0  }
0x51: {  	[tilespmem:s17+$0x600] =	vst v1;
	v1 =	vadd.s32 v3, v2  }
0x52: {  	s17 =	simm.s32 $0x0;
	[tilespmem:s18+$0x600] =	vst v1  }
0x53: {  	v1 =	vld [tilespmem:s17+$0x480]  }
0x54: {  	v2 =	vld [tilespmem:s17+$0x280];
	_ =	sdelay $0x4  }
0x55: {  	v2 =	vmul.u32 $0xB, v2;
	vm0 =	vge.f32 v1, $0.0e+00  }
0x56: {  	v3 =	vsel vm0, $0x1, v0;
	vm0 =	vge.f32 v1, $1.111111070e+01  }
0x57: {  	v2 =	vadd.s32 v3, v2;
	v3 =	vsel vm0, $0x1, v0;
	vm0 =	vge.f32 v1, $2.222222140e+01  }
0x58: {  	v2 =	vadd.s32 v3, v2;
	v3 =	vsel vm0, $0x1, v0;
	vm0 =	vge.f32 v1, $3.333333210e+01  }
0x59: {  	s18 =	simm.s32 $0x10;
	v3 =	vadd.s32 v3, v2;
	v4 =	vsel vm0, $0x1, v0;
	vm0 =	vge.f32 v1, $4.444444270e+01  }
0x5a: {  	s20 =	simm.s32 $0x80;
	s19 =	simm.s32 $0x0;
	v2 =	vld [tilespmem:s18+$0x480];
	v3 =	vadd.s32 v4, v3;
	v4 =	vsel vm0, $0x1, v0;
	vm0 =	vge.f32 v1, $5.555555730e+01  }
.LBB2_4:
0x5b: {  	p1 =	sne.s32 s20, $0x1C0;
	v5 =	vld [tilespmem:s18+$0x280];
	v3 =	vadd.s32 v4, v3;
	v4 =	vsel vm0, $0x1, v0;
	vm0 =	vge.f32 v1, $6.666666410e+01  }
0x5c: {  	v3 =	vadd.s32 v4, v3;
	v4 =	vsel vm0, $0x1, v0;
	vm0 =	vge.f32 v1, $7.777777860e+01  }
0x5d: {  	v3 =	vadd.s32 v4, v3;
	v4 =	vsel vm0, $0x1, v0;
	vm0 =	vge.f32 v1, $8.888888540e+01  }
0x5e: {  	v3 =	vadd.s32 v4, v3;
	v4 =	vsel vm0, $0x1, v0;
	vm0 =	vge.f32 v1, $1.000000000e+02  }
0x5f: {  	v3 =	vadd.s32 v4, v3;
	v4 =	vsel vm0, $0x1, v0;
	v1 =	vmov v2  }
0x60: {  	v2 =	vmul.u32 $0xB, v5;
	vm0 =	vge.f32 v1, $0.0e+00;
	v3 =	vadd.s32 v4, v3  }
.Ltmp1:
0x61: {  	v4 =	vsel vm0, $0x1, v0;
	vm0 =	vge.f32 v1, $1.111111070e+01;
	[tilespmem:s19+$0x680] =	vst v3;
	s19 =	smov.u32 s18;
	(pc) =	sbr.rel @p1 .LBB2_4-.Ltmp1, $4  }
0x62: {  	v2 =	vadd.s32 v4, v2;
	v3 =	vsel vm0, $0x1, v0;
	vm0 =	vge.f32 v1, $2.222222140e+01  }
0x63: {  	v2 =	vadd.s32 v3, v2;
	v3 =	vsel vm0, $0x1, v0;
	vm0 =	vge.f32 v1, $3.333333210e+01  }
0x64: {  	s18 =	sshra.s32 s20, $0x2;
	v3 =	vadd.s32 v3, v2;
	v4 =	vsel vm0, $0x1, v0;
	vm0 =	vge.f32 v1, $4.444444270e+01  }
0x65: {  	s20 =	sadd.s32 $0x40, s20;
	v2 =	vld [tilespmem:s18+$0x480];
	v3 =	vadd.s32 v4, v3;
	v4 =	vsel vm0, $0x1, v0;
	vm0 =	vge.f32 v1, $5.555555730e+01  }
0x66: {  	v5 =	vld [tilespmem:s18+$0x280]  }
0x67: {  	v3 =	vadd.s32 v4, v3;
	v4 =	vsel vm0, $0x1, v0;
	vm0 =	vge.f32 v1, $6.666666410e+01  }
0x68: {  	v3 =	vadd.s32 v4, v3;
	v4 =	vsel vm0, $0x1, v0;
	vm0 =	vge.f32 v1, $7.777777860e+01  }
0x69: {  	v3 =	vadd.s32 v4, v3;
	v4 =	vsel vm0, $0x1, v0;
	vm0 =	vge.f32 v1, $8.888888540e+01  }
0x6a: {  	v3 =	vadd.s32 v4, v3;
	v4 =	vsel vm0, $0x1, v0;
	vm0 =	vge.f32 v1, $1.000000000e+02  }
0x6b: {  	v1 =	vsel vm0, $0x1, v0;
	vm0 =	vge.f32 v2, $0.0e+00;
	v5 =	vmul.u32 $0xB, v5  }
0x6c: {  	v3 =	vadd.s32 v4, v3;
	v4 =	vsel vm0, $0x1, v0;
	vm0 =	vge.f32 v2, $1.111111070e+01  }
0x6d: {  	v4 =	vadd.s32 v4, v5;
	v5 =	vsel vm0, $0x1, v0;
	vm0 =	vge.f32 v2, $2.222222140e+01  }
0x6e: {  	v4 =	vadd.s32 v5, v4;
	v5 =	vsel vm0, $0x1, v0;
	vm0 =	vge.f32 v2, $3.333333210e+01  }
0x6f: {  	v4 =	vadd.s32 v5, v4;
	v5 =	vsel vm0, $0x1, v0;
	vm0 =	vge.f32 v2, $4.444444270e+01  }
0x70: {  	v4 =	vadd.s32 v5, v4;
	v5 =	vsel vm0, $0x1, v0;
	vm0 =	vge.f32 v2, $5.555555730e+01  }
0x71: {  	v4 =	vadd.s32 v5, v4;
	v5 =	vsel vm0, $0x1, v0;
	vm0 =	vge.f32 v2, $6.666666410e+01  }
0x72: {  	v4 =	vadd.s32 v5, v4;
	v5 =	vsel vm0, $0x1, v0;
	vm0 =	vge.f32 v2, $7.777777860e+01  }
0x73: {  	v4 =	vadd.s32 v5, v4;
	v5 =	vsel vm0, $0x1, v0;
	vm0 =	vge.f32 v2, $8.888888540e+01  }
0x74: {  	v4 =	vadd.s32 v5, v4;
	v5 =	vsel vm0, $0x1, v0;
	vm0 =	vge.f32 v2, $1.000000000e+02  }
0x75: {  	v1 =	vadd.s32 v1, v3;
	v2 =	vadd.s32 v5, v4;
	v3 =	vsel vm0, $0x1, v0  }
0x76: {  	[tilespmem:s19+$0x680] =	vst v1;
	v1 =	vadd.s32 v3, v2  }
0x77: {  	[tilespmem:s18+$0x680] =	vst v1  }
0x78: {  	v1 =	vld [tilespmem:s17+$0x500]  }
0x79: {  	v2 =	vld [tilespmem:s17+$0x300];
	_ =	sdelay $0x4  }
0x7a: {  	v2 =	vmul.u32 $0xB, v2;
	vm0 =	vge.f32 v1, $0.0e+00  }
0x7b: {  	v3 =	vsel vm0, $0x1, v0;
	vm0 =	vge.f32 v1, $1.111111070e+01  }
0x7c: {  	v2 =	vadd.s32 v3, v2;
	v3 =	vsel vm0, $0x1, v0;
	vm0 =	vge.f32 v1, $2.222222140e+01  }
0x7d: {  	v2 =	vadd.s32 v3, v2;
	v3 =	vsel vm0, $0x1, v0;
	vm0 =	vge.f32 v1, $3.333333210e+01  }
0x7e: {  	s18 =	simm.s32 $0x10;
	v3 =	vadd.s32 v3, v2;
	v4 =	vsel vm0, $0x1, v0;
	vm0 =	vge.f32 v1, $4.444444270e+01  }
0x7f: {  	s19 =	simm.s32 $0x80;
	v2 =	vld [tilespmem:s18+$0x500];
	v3 =	vadd.s32 v4, v3;
	v4 =	vsel vm0, $0x1, v0;
	vm0 =	vge.f32 v1, $5.555555730e+01  }
.LBB2_6:
0x80: {  	p1 =	sne.s32 s19, $0x1C0;
	v5 =	vld [tilespmem:s18+$0x300];
	v3 =	vadd.s32 v4, v3;
	v4 =	vsel vm0, $0x1, v0;
	vm0 =	vge.f32 v1, $6.666666410e+01  }
0x81: {  	v3 =	vadd.s32 v4, v3;
	v4 =	vsel vm0, $0x1, v0;
	vm0 =	vge.f32 v1, $7.777777860e+01  }
0x82: {  	v3 =	vadd.s32 v4, v3;
	v4 =	vsel vm0, $0x1, v0;
	vm0 =	vge.f32 v1, $8.888888540e+01  }
0x83: {  	v3 =	vadd.s32 v4, v3;
	v4 =	vsel vm0, $0x1, v0;
	vm0 =	vge.f32 v1, $1.000000000e+02  }
0x84: {  	v3 =	vadd.s32 v4, v3;
	v4 =	vsel vm0, $0x1, v0;
	v1 =	vmov v2  }
0x85: {  	v2 =	vmul.u32 $0xB, v5;
	vm0 =	vge.f32 v1, $0.0e+00;
	v3 =	vadd.s32 v4, v3  }
.Ltmp2:
0x86: {  	v4 =	vsel vm0, $0x1, v0;
	vm0 =	vge.f32 v1, $1.111111070e+01;
	[tilespmem:s17+$0x700] =	vst v3;
	s17 =	smov.u32 s18;
	(pc) =	sbr.rel @p1 .LBB2_6-.Ltmp2, $4  }
0x87: {  	v2 =	vadd.s32 v4, v2;
	v3 =	vsel vm0, $0x1, v0;
	vm0 =	vge.f32 v1, $2.222222140e+01  }
0x88: {  	v2 =	vadd.s32 v3, v2;
	v3 =	vsel vm0, $0x1, v0;
	vm0 =	vge.f32 v1, $3.333333210e+01  }
0x89: {  	s18 =	sshra.s32 s19, $0x2;
	v3 =	vadd.s32 v3, v2;
	v4 =	vsel vm0, $0x1, v0;
	vm0 =	vge.f32 v1, $4.444444270e+01  }
0x8a: {  	s19 =	sadd.s32 $0x40, s19;
	v2 =	vld [tilespmem:s18+$0x500];
	v3 =	vadd.s32 v4, v3;
	v4 =	vsel vm0, $0x1, v0;
	vm0 =	vge.f32 v1, $5.555555730e+01  }
0x8b: {  	v5 =	vld [tilespmem:s18+$0x300]  }
0x8c: {  	v3 =	vadd.s32 v4, v3;
	v4 =	vsel vm0, $0x1, v0;
	vm0 =	vge.f32 v1, $6.666666410e+01  }
0x8d: {  	v3 =	vadd.s32 v4, v3;
	v4 =	vsel vm0, $0x1, v0;
	vm0 =	vge.f32 v1, $7.777777860e+01  }
0x8e: {  	v3 =	vadd.s32 v4, v3;
	v4 =	vsel vm0, $0x1, v0;
	vm0 =	vge.f32 v1, $8.888888540e+01  }
0x8f: {  	v3 =	vadd.s32 v4, v3;
	v4 =	vsel vm0, $0x1, v0;
	vm0 =	vge.f32 v1, $1.000000000e+02  }
0x90: {  	v1 =	vsel vm0, $0x1, v0;
	vm0 =	vge.f32 v2, $0.0e+00;
	v5 =	vmul.u32 $0xB, v5  }
0x91: {  	v3 =	vadd.s32 v4, v3;
	v4 =	vsel vm0, $0x1, v0;
	vm0 =	vge.f32 v2, $1.111111070e+01  }
0x92: {  	v4 =	vadd.s32 v4, v5;
	v5 =	vsel vm0, $0x1, v0;
	vm0 =	vge.f32 v2, $2.222222140e+01  }
0x93: {  	v4 =	vadd.s32 v5, v4;
	v5 =	vsel vm0, $0x1, v0;
	vm0 =	vge.f32 v2, $3.333333210e+01  }
0x94: {  	v4 =	vadd.s32 v5, v4;
	v5 =	vsel vm0, $0x1, v0;
	vm0 =	vge.f32 v2, $4.444444270e+01  }
0x95: {  	v4 =	vadd.s32 v5, v4;
	v5 =	vsel vm0, $0x1, v0;
	vm0 =	vge.f32 v2, $5.555555730e+01  }
0x96: {  	v4 =	vadd.s32 v5, v4;
	v5 =	vsel vm0, $0x1, v0;
	vm0 =	vge.f32 v2, $6.666666410e+01  }
0x97: {  	v4 =	vadd.s32 v5, v4;
	v5 =	vsel vm0, $0x1, v0;
	vm0 =	vge.f32 v2, $7.777777860e+01  }
0x98: {  	v4 =	vadd.s32 v5, v4;
	v5 =	vsel vm0, $0x1, v0;
	vm0 =	vge.f32 v2, $8.888888540e+01  }
0x99: {  	v4 =	vadd.s32 v5, v4;
	v5 =	vsel vm0, $0x1, v0;
	vm0 =	vge.f32 v2, $1.000000000e+02  }
0x9a: {  	v1 =	vadd.s32 v1, v3;
	v2 =	vadd.s32 v5, v4;
	v3 =	vsel vm0, $0x1, v0  }
0x9b: {  	[tilespmem:s17+$0x700] =	vst v1;
	v1 =	vadd.s32 v3, v2  }
0x9c: {  	s17 =	simm.s32 $0x0;
	[tilespmem:s18+$0x700] =	vst v1  }
0x9d: {  	v1 =	vld [tilespmem:s17+$0x580]  }
0x9e: {  	v2 =	vld [tilespmem:s17+$0x380];
	_ =	sdelay $0x4  }
0x9f: {  	v2 =	vmul.u32 $0xB, v2;
	vm0 =	vge.f32 v1, $0.0e+00  }
0xa0: {  	v3 =	vsel vm0, $0x1, v0;
	vm0 =	vge.f32 v1, $1.111111070e+01  }
0xa1: {  	v2 =	vadd.s32 v3, v2;
	v3 =	vsel vm0, $0x1, v0;
	vm0 =	vge.f32 v1, $2.222222140e+01  }
0xa2: {  	v2 =	vadd.s32 v3, v2;
	v3 =	vsel vm0, $0x1, v0;
	vm0 =	vge.f32 v1, $3.333333210e+01  }
0xa3: {  	s18 =	simm.s32 $0x10;
	v3 =	vadd.s32 v3, v2;
	v4 =	vsel vm0, $0x1, v0;
	vm0 =	vge.f32 v1, $4.444444270e+01  }
0xa4: {  	s19 =	simm.s32 $0x80;
	v2 =	vld [tilespmem:s18+$0x580];
	v3 =	vadd.s32 v4, v3;
	v4 =	vsel vm0, $0x1, v0;
	vm0 =	vge.f32 v1, $5.555555730e+01  }
.LBB2_8:
0xa5: {  	p1 =	sne.s32 s19, $0x1C0;
	v5 =	vld [tilespmem:s18+$0x380];
	v3 =	vadd.s32 v4, v3;
	v4 =	vsel vm0, $0x1, v0;
	vm0 =	vge.f32 v1, $6.666666410e+01  }
0xa6: {  	v3 =	vadd.s32 v4, v3;
	v4 =	vsel vm0, $0x1, v0;
	vm0 =	vge.f32 v1, $7.777777860e+01  }
0xa7: {  	v3 =	vadd.s32 v4, v3;
	v4 =	vsel vm0, $0x1, v0;
	vm0 =	vge.f32 v1, $8.888888540e+01  }
0xa8: {  	v3 =	vadd.s32 v4, v3;
	v4 =	vsel vm0, $0x1, v0;
	vm0 =	vge.f32 v1, $1.000000000e+02  }
0xa9: {  	v3 =	vadd.s32 v4, v3;
	v4 =	vsel vm0, $0x1, v0;
	v1 =	vmov v2  }
0xaa: {  	v2 =	vmul.u32 $0xB, v5;
	vm0 =	vge.f32 v1, $0.0e+00;
	v3 =	vadd.s32 v4, v3  }
.Ltmp3:
0xab: {  	v4 =	vsel vm0, $0x1, v0;
	vm0 =	vge.f32 v1, $1.111111070e+01;
	[tilespmem:s17+$0x780] =	vst v3;
	s17 =	smov.u32 s18;
	(pc) =	sbr.rel @p1 .LBB2_8-.Ltmp3, $4  }
0xac: {  	v2 =	vadd.s32 v4, v2;
	v3 =	vsel vm0, $0x1, v0;
	vm0 =	vge.f32 v1, $2.222222140e+01  }
0xad: {  	v2 =	vadd.s32 v3, v2;
	v3 =	vsel vm0, $0x1, v0;
	vm0 =	vge.f32 v1, $3.333333210e+01  }
0xae: {  	s18 =	sshra.s32 s19, $0x2;
	v3 =	vadd.s32 v3, v2;
	v4 =	vsel vm0, $0x1, v0;
	vm0 =	vge.f32 v1, $4.444444270e+01  }
0xaf: {  	s19 =	sadd.s32 $0x40, s19;
	v2 =	vld [tilespmem:s18+$0x580];
	v3 =	vadd.s32 v4, v3;
	v4 =	vsel vm0, $0x1, v0;
	vm0 =	vge.f32 v1, $5.555555730e+01  }
0xb0: {  	v5 =	vld [tilespmem:s18+$0x380]  }
0xb1: {  	v3 =	vadd.s32 v4, v3;
	v51 =	vsel vm0, $0x1, v0;
	vm14 =	vge.f32 v1, $6.666666410e+01  }
0xb2: {  	vm15 =	vge.f32 v1, $7.777777860e+01;
	vm4 =	vge.f32 v1, $8.888888540e+01;
	vm5 =	vge.f32 v1, $1.000000000e+02  }
0xb3: {  	v3 =	vadd.s32 v51, v3;
	v52 =	vsel vm14, $0x1, v0;
	v53 =	vsel vm15, $0x1, v0  }
0xb4: {  	v54 =	vsel vm4, $0x1, v0;
	v1 =	vsel vm5, $0x1, v0;
	v3 =	vadd.s32 v52, v3  }
0xb5: {  	v3 =	vadd.s32 v53, v3;
	vm6 =	vge.f32 v2, $0.0e+00;
	v5 =	vmul.u32 $0xB, v5  }
0xb6: {  	v3 =	vadd.s32 v54, v3;
	vm7 =	vge.f32 v2, $1.111111070e+01;
	v55 =	vsel vm6, $0x1, v0  }
0xb7: {  	vm8 =	vge.f32 v2, $2.222222140e+01;
	v56 =	vsel vm7, $0x1, v0;
	v4 =	vadd.s32 v55, v5  }
0xb8: {  	vm9 =	vge.f32 v2, $3.333333210e+01;
	v57 =	vsel vm8, $0x1, v0;
	v4 =	vadd.s32 v56, v4  }
0xb9: {  	vm10 =	vge.f32 v2, $4.444444270e+01;
	v58 =	vsel vm9, $0x1, v0;
	v4 =	vadd.s32 v57, v4  }
0xba: {  	vm11 =	vge.f32 v2, $5.555555730e+01;
	v59 =	vsel vm10, $0x1, v0;
	v4 =	vadd.s32 v58, v4  }
0xbb: {  	vm12 =	vge.f32 v2, $6.666666410e+01;
	v60 =	vsel vm11, $0x1, v0;
	v4 =	vadd.s32 v59, v4  }
0xbc: {  	vm13 =	vge.f32 v2, $7.777777860e+01;
	v61 =	vsel vm12, $0x1, v0;
	v4 =	vadd.s32 v60, v4  }
0xbd: {  	vm14 =	vge.f32 v2, $8.888888540e+01;
	v62 =	vsel vm13, $0x1, v0;
	v4 =	vadd.s32 v61, v4  }
0xbe: {  	vm15 =	vge.f32 v2, $1.000000000e+02;
	v63 =	vsel vm14, $0x1, v0;
	v4 =	vadd.s32 v62, v4  }
0xbf: {  	v1 =	vadd.s32 v1, v3;
	v3 =	vsel vm15, $0x1, v0;
	v2 =	vadd.s32 v63, v4  }
0xc0: {  	[tilespmem:s17+$0x780] =	vst v1;
	v1 =	vadd.s32 v3, v2  }
0xc1: {  	[tilespmem:s18+$0x780] =	vst v1  }
0xc2: {  	[bflag:$0x0] =	sbarrier.arrive $0xFFFF  }
0xc3: {  	[tilespmem:s23], [sflag:$0x2] =	stream.indirect.gather [spmem:s2], $0x40, s22, s15, $0xb8;
	[tilespmem:$0xC888] =	vst v63  }
0xc4: {  	_ = 	snop  }
0xc5: {  	[tilespmem:s25], [sflag:$0x2] =	stream.indirect.gather [spmem:s2], $0x40, s24, s15, $0xb8;
	[tilespmem:$0xC888] =	vst v63  }
0xc6: {  	_ = 	snop  }
0xc7: {  	[tilespmem:s28], [sflag:$0x2] =	stream.indirect.gather [spmem:s2], $0x40, s26, s15, $0xb8;
	[tilespmem:$0xC888] =	vst v63  }
0xc8: {  	_ = 	snop  }
0xc9: {  	[tilespmem:s30], [sflag:$0x2] =	stream.indirect.gather [spmem:s2], $0x40, s29, s15, $0xb8;
	[tilespmem:$0xC888] =	vst v63  }
0xca: {  	_ =	swait.ge [sflag:s14], $0x1000  }
0xcb: {  	[sflag:s14] =	ssyncset.done $0x0  }
0xcc: {  	[sflag:s14] =	ssyncadd.s32 $0xFFFFF000  }
0xcd: {  	_ =	swait.ge [sflag:s14], $0x1000  }
0xce: {  	[sflag:s14] =	ssyncset.done $0x0  }
0xcf: {  	[sflag:s14] =	ssyncadd.s32 $0xFFFFF000  }
0xd0: {  	_ =	swait.ge [sflag:s14], $0x1000  }
0xd1: {  	[sflag:s14] =	ssyncset.done $0x0  }
0xd2: {  	[sflag:s14] =	ssyncadd.s32 $0xFFFFF000  }
0xd3: {  	_ =	swait.ge [sflag:s14], $0x1000  }
0xd4: {  	[sflag:s14] =	ssyncset.done $0x0  }
0xd5: {  	[sflag:s14] =	ssyncadd.s32 $0xFFFFF000  }
0xd6: {  	[hbm4b:s8+s31] =	stream.strided.scatter [tilespmem:s16], [sflag:$0x3], $0x4000, s15, s31, $0x38;
	[tilespmem:$0xC888] =	vst v63  }
0xd7: {  	_ =	swait.ge [sflag:s0], $0x2000  }
0xd8: {  	[sflag:s0] =	ssyncset.done $0x0  }
0xd9: {  	[sflag:s0] =	ssyncadd.s32 $0xFFFFE000  }
0xda: {  	_ =	swait.ge [sflag:s0], $0x2000  }
0xdb: {  	[sflag:s0] =	ssyncset.done $0x0  }
0xdc: {  	[sflag:s0] =	ssyncadd.s32 $0xFFFFE000  }
0xdd: {  	_ =	swait.ge [sflag:s0], $0x2000  }
0xde: {  	[sflag:s0] =	ssyncset.done $0x0  }
0xdf: {  	[sflag:s0] =	ssyncadd.s32 $0xFFFFE000  }
0xe0: {  	_ =	swait.ge [sflag:s0], $0x2000  }
0xe1: {  	[sflag:s0] =	ssyncset.done $0x0  }
0xe2: {  	s13 =	sadd.s32 $0x1, s13;
	[sflag:s0] =	ssyncadd.s32 $0xFFFFE000  }
0xe3: {  	[hbm4b:s9+s1] =	stream.strided.scatter [tilespmem:s23], [sflag:$0x3], $0x8000, s15, s1, $0x38;
	[tilespmem:$0xC888] =	vst v63  }
0xe4: {  	p1 =	sne.s32 s13, s10;
	_ =	swait.ge [sflag:s12], $0x4000  }
.Ltmp4:
0xe5: {  	[sflag:s12] =	ssyncset.done $0x0;
	(pc) =	sbr.rel @p1 .LBB2_1-.Ltmp4, $4  }
0xe6: {  	[sflag:s12] =	ssyncadd.s32 $0xFFFFC000  }
0xe7: {  	_ =	swait.ge [sflag:s12], $0x8000  }
0xe8: {  	[sflag:s12] =	ssyncset.done $0x0  }
0xe9: {  	[sflag:s12] =	ssyncadd.s32 $0xFFFF8000  }
0xea: {  	_ =	sfence.sel $0x180000  }
0xeb: {  	[bflag:$0x0] =	sbarrier.arrive $0xFFFF  }
0xec: {  	_ =	strace $0x90000047  }
0xed: {  	[bflag:$0x2] =	sbarrier.arrive $0xFFFF  }
0xee: {  	s0 =	rddreg [dreg:$0x6]  }
0xef: {  	s0 =	sadd.s32 @!p0 $0x100000, s0  }
0xf0: {  	[sflag:s0] =	ssyncadd.tile.s32 @!p0 $0x1;
	_ =	shalt  }
.Lfunc_end2:
_tile_overlayer_lowered:
.L_overlay_start_2:
0xf1: {  	(tag) =	ssettag $0x2  }
0xf2: {  	s0 =	rddreg [dreg:$0x0];
	s2 =	stileid.u32  }
0xf3: {  	s1 =	rddreg [dreg:$0x1];
	p0 =	sne.s32 s2, $0x0  }
0xf4: {  	s3 =	rddreg [dreg:$0x2];
	[bflag:$0x3] =	sbarrier.arrive $0xFFFF;
	s2 =	simm.s32 @!p0 $0x1C04  }
0xf5: {  	[timem:s3], [sflag:s2] =	dma.local @!p0 [hbm:s0], s1  }
0xf6: {  	s0 =	simm.s32 @!p0 $0x4  }
0xf7: {  	_ =	swait.ge @!p0 [sflag:s0], s1  }
0xf8: {  	s1 =	ssub.s32 @!p0 $0x0, s1;
	[sflag:s0] =	ssyncset.done @!p0 $0x0  }
0xf9: {  	[sflag:s0] =	ssyncadd.s32 @!p0 s1  }
0xfa: {  	[bflag:$0x3] =	sbarrier.arrive $0xFFFF  }
0xfb: {  	_ =	shalt  }

</sc_bundles>
